<compile_context>
chip_gen: v7x
topology: tpu7x:2x2x1
jax: 0.10.2.dev20260603
libtpu: 0.0.44.dev20260713+nightly
codegen_flags: <defaults>
</compile_context>

<pallas_src>
import functools

import jax
import jax.numpy as jnp
import numpy as np
from jax import lax
from jax.experimental import pallas as pl
from jax.experimental.pallas import tpu as pltpu
from jax.experimental.pallas import tpu_sc as plsc

NC = 2
NS = 16
NW = NC * NS

BATCH = 16384
D = 32
DP = D // 2
N_ROWS = 1000000
PW = 32768
P_GRID = (N_ROWS + PW - 1) // PW
SUB = PW // 4
QROWS = P_GRID * SUB
B_PER_W = BATCH // NW
CHUNK = 128
N_CHUNK = B_PER_W // CHUNK
IDX_ROWS = BATCH // CHUNK


def _sel_mats():
    k = np.arange(128)[:, None]
    c = np.arange(64)[None, :]
    e = ((k // 32 == c // 16) & (k % 32 == 2 * (c % 16))).astype(np.float32)
    o = ((k // 32 == c // 16) & (k % 32 == 2 * (c % 16) + 1)).astype(np.float32)
    return jnp.asarray(e, jnp.bfloat16), jnp.asarray(o, jnp.bfloat16)


def _pack_body(x0, x1, x2, x3, y0, y1, y2, y3, ee_ref, eo_ref,
               uo_ref, io_ref):
    ee, eo = ee_ref[...], eo_ref[...]
    xs = jnp.concatenate([x0[...], x1[...], x2[...], x3[...]],
                         axis=0).astype(jnp.bfloat16)
    ys = jnp.concatenate([y0[...], y1[...], y2[...], y3[...]],
                         axis=0).astype(jnp.bfloat16)
    dn = (((0,), (0,)), ((), ()))
    for src, dst in ((xs, uo_ref), (ys, io_ref)):
        a = lax.dot_general(src, ee, dn, preferred_element_type=jnp.float32)
        b = lax.dot_general(src, eo, dn, preferred_element_type=jnp.float32)
        ar = a.astype(jnp.bfloat16).astype(jnp.float32)
        br = b.astype(jnp.bfloat16).astype(jnp.float32)
        packed = pltpu.pack_elementwise([ar, br], packed_dtype=jnp.bfloat16)
        dst[...] = pltpu.bitcast(packed, jnp.float32)


def _tc_pack(ut_t, it_t):
    ee, eo = _sel_mats()
    line_t = jax.ShapeDtypeStruct((QROWS, 64), jnp.float32)
    last = N_ROWS // SUB
    sub = lambda g: pl.BlockSpec(
        (D, SUB), lambda i, g=g: (0, jnp.minimum(4 * i + g, last)))
    uq, iq = pl.pallas_call(
        _pack_body,
        grid=(P_GRID,),
        in_specs=[sub(0), sub(1), sub(2), sub(3),
                  sub(0), sub(1), sub(2), sub(3),
                  pl.BlockSpec((128, 64), lambda i: (0, 0)),
                  pl.BlockSpec((128, 64), lambda i: (0, 0))],
        out_specs=[pl.BlockSpec((SUB, 64), lambda i: (i, 0)),
                   pl.BlockSpec((SUB, 64), lambda i: (i, 0))],
        out_shape=[line_t, line_t],
    )(ut_t, ut_t, ut_t, ut_t, it_t, it_t, it_t, it_t, ee, eo)
    return uq.reshape(QROWS * 4, DP), iq.reshape(QROWS * 4, DP)


def _gather_body(ut_hbm, it_hbm, ui_hbm, ii_hbm, u_hbm, v_hbm,
                 uidx_v, iidx_v, urows_v, irows_v, sem):
    wid = lax.axis_index("s") * NC + lax.axis_index("c")
    row0 = wid * N_CHUNK
    pltpu.sync_copy(ui_hbm.at[pl.ds(row0, N_CHUNK)], uidx_v)
    pltpu.sync_copy(ii_hbm.at[pl.ds(row0, N_CHUNK)], iidx_v)
    copies = []
    for j in range(N_CHUNK):
        copies.append(pltpu.async_copy(
            ut_hbm.at[uidx_v.at[j]], urows_v.at[pl.ds(j * CHUNK, CHUNK)], sem))
        copies.append(pltpu.async_copy(
            it_hbm.at[iidx_v.at[j]], irows_v.at[pl.ds(j * CHUNK, CHUNK)], sem))
    for c in copies:
        c.wait()
    base = wid * B_PER_W
    pltpu.sync_copy(urows_v, u_hbm.at[pl.ds(base, B_PER_W)])
    pltpu.sync_copy(irows_v, v_hbm.at[pl.ds(base, B_PER_W)])


def _sc_gather(user_table, item_table, user_idx, item_idx):
    mesh = plsc.VectorSubcoreMesh(core_axis_name="c", subcore_axis_name="s")
    rows_t = jax.ShapeDtypeStruct((BATCH, DP), jnp.float32)
    k = pl.kernel(
        _gather_body,
        out_type=[rows_t, rows_t],
        mesh=mesh,
        compiler_params=pltpu.CompilerParams(use_tc_tiling_on_sc=False),
        scratch_types=[
            pltpu.VMEM((N_CHUNK, CHUNK), jnp.int32),
            pltpu.VMEM((N_CHUNK, CHUNK), jnp.int32),
            pltpu.VMEM((B_PER_W, DP), jnp.float32),
            pltpu.VMEM((B_PER_W, DP), jnp.float32),
            pltpu.SemaphoreType.DMA,
        ],
    )
    return k(user_table, item_table,
             user_idx.reshape(IDX_ROWS, CHUNK), item_idx.reshape(IDX_ROWS, CHUNK))


BLK = 2048


def _unpack(p_ref):
    pi = pltpu.bitcast(p_ref[...], jnp.int32)
    a = pltpu.unpack_elementwise(
        pi, index=0, packed_dtype=jnp.int16, unpacked_dtype=jnp.int32)
    b = pltpu.unpack_elementwise(
        pi, index=1, packed_dtype=jnp.int16, unpacked_dtype=jnp.int32)
    af = pltpu.bitcast(jnp.left_shift(a, 16), jnp.float32)
    bf = pltpu.bitcast(jnp.left_shift(b, 16), jnp.float32)
    return af, bf


def _mlp_body(u_ref, v_ref, w1ue_ref, w1uo_ref, w1ve_ref, w1vo_ref,
              b1_ref, w2_ref, b2_ref, wo_ref, bo_ref, o_ref):
    ua, ub = _unpack(u_ref)
    va, vb = _unpack(v_ref)
    h = (ua @ w1ue_ref[...] + ub @ w1uo_ref[...]
         + va @ w1ve_ref[...] + vb @ w1vo_ref[...] + b1_ref[...])
    h = jnp.maximum(h, 0.0)
    h = jnp.maximum(h @ w2_ref[...] + b2_ref[...], 0.0)
    o_ref[...] = h @ wo_ref[...] + bo_ref[...]


def _tc_mlp(u, v, W1, b1, W2, b2, Wo, bo):
    w1u, w1v = W1[:D], W1[D:]
    w1ue, w1uo = w1u[0::2], w1u[1::2]
    w1ve, w1vo = w1v[0::2], w1v[1::2]
    grid = (BATCH // BLK,)
    full = lambda shape: pl.BlockSpec(shape, lambda i: (0, 0))
    out = pl.pallas_call(
        _mlp_body,
        grid=grid,
        in_specs=[
            pl.BlockSpec((BLK, DP), lambda i: (i, 0)),
            pl.BlockSpec((BLK, DP), lambda i: (i, 0)),
            full((DP, 64)),
            full((DP, 64)),
            full((DP, 64)),
            full((DP, 64)),
            full((1, 64)),
            full((64, 32)),
            full((1, 32)),
            full((32, 1)),
            full((1, 1)),
        ],
        out_specs=pl.BlockSpec((BLK, 1), lambda i: (i, 0)),
        out_shape=jax.ShapeDtypeStruct((BATCH, 1), jnp.float32),
    )(u, v, w1ue, w1uo, w1ve, w1vo, b1.reshape(1, 64), W2,
      b2.reshape(1, 32), Wo, bo.reshape(1, 1))
    return out[:, 0]


def kernel(user_indices, item_indices, user_table, item_table,
           W1, b1, W2, b2, Wo, bo):
    uq, iq = _tc_pack(user_table.T, item_table.T)

    def remap(r):
        i = r // PW
        rem = r % PW
        return 4 * (SUB * i + rem % SUB) + rem // SUB

    uidx = remap(user_indices)
    iidx = remap(item_indices)
    u, v = _sc_gather(uq, iq, uidx, iidx)
    return _tc_mlp(u, v, W1, b1, W2, b2, Wo, bo)

# --- scband reference (transcript-rebuilt; emitter-appended) ---
"""Pipeline reference for scband-neural-mf-18717467476652 (READ-ONLY COPY).

The authoritative reference and input builder live on the scoring server;
editing this copy changes nothing except your own understanding.
"""

import jax, jax.numpy as jnp
import numpy as np

N_USERS = 1000000
N_ITEMS = 1000000
EMBED_DIM = 32
BATCH = 16384


def setup_inputs(seed: int = 0) -> dict:
    key = jax.random.key(seed)
    ks = jax.random.split(key, 12)
    user_indices = jax.random.randint(ks[0], (BATCH,), 0, N_USERS, dtype=jnp.int64 if jax.config.jax_enable_x64 else jnp.int32)
    item_indices = jax.random.randint(ks[1], (BATCH,), 0, N_ITEMS, dtype=jnp.int64 if jax.config.jax_enable_x64 else jnp.int32)
    user_table = jax.random.normal(ks[2], (N_USERS, EMBED_DIM), dtype=jnp.float32) * 0.01
    item_table = jax.random.normal(ks[3], (N_ITEMS, EMBED_DIM), dtype=jnp.float32) * 0.01
    # MLP: Linear(64->64), ReLU, Linear(64->32), ReLU, Output Linear(32->1)
    def xavier(k, fan_in, fan_out):
        limit = np.sqrt(6.0 / (fan_in + fan_out))
        return jax.random.uniform(k, (fan_in, fan_out), minval=-limit, maxval=limit, dtype=jnp.float32)
    W1 = xavier(ks[4], 2 * EMBED_DIM, 64)
    b1 = jnp.zeros((64,), dtype=jnp.float32)
    W2 = xavier(ks[5], 64, 32)
    b2 = jnp.zeros((32,), dtype=jnp.float32)
    Wo = xavier(ks[6], 32, 1)
    bo = jnp.zeros((1,), dtype=jnp.float32)
    return {
        "user_indices": user_indices,
        "item_indices": item_indices,
        "user_table": user_table,
        "item_table": item_table,
        "W1": W1, "b1": b1,
        "W2": W2, "b2": b2,
        "Wo": Wo, "bo": bo,
    }


def reference(user_indices, item_indices, user_table, item_table, W1, b1, W2, b2, Wo, bo):
    # Embedding lookups (gather)
    u = jnp.take(user_table, user_indices, axis=0)
    v = jnp.take(item_table, item_indices, axis=0)
    x = jnp.concatenate([u, v], axis=-1)
    # MLP (dropout is identity in eval mode)
    x = jax.nn.relu(x @ W1 + b1)
    x = jax.nn.relu(x @ W2 + b2)
    out = (x @ Wo + bo).squeeze(-1)
    return out


if False:  # reference __main__ guard neutralized (emitter)
    inp = setup_inputs()
    o = reference(**inp)
    print(o.shape, o.dtype)

if __name__ == "__main__":
    import jax
    _d = setup_inputs()
    print(jax.jit(kernel)(*tuple(_d.values())))

</pallas_src>

<mosaic_0001>
#map = affine_map<(d0, d1) -> (0, 0)>
module attributes {stable_mosaic.version = 14 : i64} {
  func.func @_gather_body(%arg0: i32, %arg1: i32, %arg2: memref<1015808x16xf32, #tpu.memory_space<hbm>>, %arg3: memref<1015808x16xf32, #tpu.memory_space<hbm>>, %arg4: memref<128x128xi32, #tpu.memory_space<hbm>>, %arg5: memref<128x128xi32, #tpu.memory_space<hbm>>, %arg6: memref<16384x16xf32, #tpu.memory_space<hbm>>, %arg7: memref<16384x16xf32, #tpu.memory_space<hbm>>, %arg8: memref<4x128xi32, #tpu.memory_space<vmem>>, %arg9: memref<4x128xi32, #tpu.memory_space<vmem>>, %arg10: memref<512x16xf32, #tpu.memory_space<vmem>>, %arg11: memref<512x16xf32, #tpu.memory_space<vmem>>, %arg12: memref<!tpu.dma_semaphore, #tpu.memory_space<semaphore_mem>>) attributes {dimension_semantics = [#tpu.dimension_semantics<core_parallel>, #tpu.dimension_semantics<subcore_parallel>], iteration_bounds = array<i64: 2, 16>, scalar_prefetch = 0 : i64, scratch_operands = 5 : i64, tpu.core_type = #tpu.core_type<sc_vector_subcore>, window_params = [{transform_indices = #map}, {transform_indices = #map}, {transform_indices = #map}, {transform_indices = #map}, {transform_indices = #map}, {transform_indices = #map}]} {
    %mul3A = arith.constant 2 : i32
    %mul3A_0 = arith.muli %arg1, %mul3A : i32
    %add3A = arith.addi %mul3A_0, %arg0 : i32
    %mul3A_1 = arith.constant 4 : i32
    %mul3A_2 = arith.muli %add3A, %mul3A_1 : i32
    "tpu.region"() ({
      %run_scoped3A = tpu.sem_alloc : memref<!tpu.dma_semaphore, #tpu.memory_space<semaphore_mem>>
      %dma_start3A_163 = arith.constant 0 : i32
      %dma_start3A_164 = tpu.memref_slice %arg4[%mul3A_2, %dma_start3A_163] : memref<128x128xi32, #tpu.memory_space<hbm>> -> memref<4x128xi32, #tpu.memory_space<hbm>>
      %dma_start3A_165 = arith.constant 0 : i32
      %dma_start3A_166 = tpu.memref_slice %arg4[%mul3A_2, %dma_start3A_165] : memref<128x128xi32, #tpu.memory_space<hbm>> -> memref<4x128xi32, #tpu.memory_space<hbm>>
      tpu.enqueue_dma source(%dma_start3A_166 : memref<4x128xi32, #tpu.memory_space<hbm>>) target(%arg8 : memref<4x128xi32, #tpu.memory_space<vmem>>) target_semaphore(%run_scoped3A : memref<!tpu.dma_semaphore, #tpu.memory_space<semaphore_mem>>)
      %dma_wait3A_167 = arith.constant 0 : i32
      %dma_wait3A_168 = tpu.memref_slice %arg4[%mul3A_2, %dma_wait3A_167] : memref<128x128xi32, #tpu.memory_space<hbm>> -> memref<4x128xi32, #tpu.memory_space<hbm>>
      %dma_wait3A_169 = arith.constant 0 : i32
      %dma_wait3A_170 = tpu.memref_slice %arg4[%mul3A_2, %dma_wait3A_169] : memref<128x128xi32, #tpu.memory_space<hbm>> -> memref<4x128xi32, #tpu.memory_space<hbm>>
      tpu.wait_dma2 semaphore(%run_scoped3A : memref<!tpu.dma_semaphore, #tpu.memory_space<semaphore_mem>>) src(%dma_wait3A_170 : memref<4x128xi32, #tpu.memory_space<hbm>>) dst(%arg8 : memref<4x128xi32, #tpu.memory_space<vmem>>)
      tpu.yield
    }) : () -> ()
    "tpu.region"() ({
      %run_scoped3A = tpu.sem_alloc : memref<!tpu.dma_semaphore, #tpu.memory_space<semaphore_mem>>
      %dma_start3A_163 = arith.constant 0 : i32
      %dma_start3A_164 = tpu.memref_slice %arg5[%mul3A_2, %dma_start3A_163] : memref<128x128xi32, #tpu.memory_space<hbm>> -> memref<4x128xi32, #tpu.memory_space<hbm>>
      %dma_start3A_165 = arith.constant 0 : i32
      %dma_start3A_166 = tpu.memref_slice %arg5[%mul3A_2, %dma_start3A_165] : memref<128x128xi32, #tpu.memory_space<hbm>> -> memref<4x128xi32, #tpu.memory_space<hbm>>
      tpu.enqueue_dma source(%dma_start3A_166 : memref<4x128xi32, #tpu.memory_space<hbm>>) target(%arg9 : memref<4x128xi32, #tpu.memory_space<vmem>>) target_semaphore(%run_scoped3A : memref<!tpu.dma_semaphore, #tpu.memory_space<semaphore_mem>>)
      %dma_wait3A_167 = arith.constant 0 : i32
      %dma_wait3A_168 = tpu.memref_slice %arg5[%mul3A_2, %dma_wait3A_167] : memref<128x128xi32, #tpu.memory_space<hbm>> -> memref<4x128xi32, #tpu.memory_space<hbm>>
      %dma_wait3A_169 = arith.constant 0 : i32
      %dma_wait3A_170 = tpu.memref_slice %arg5[%mul3A_2, %dma_wait3A_169] : memref<128x128xi32, #tpu.memory_space<hbm>> -> memref<4x128xi32, #tpu.memory_space<hbm>>
      tpu.wait_dma2 semaphore(%run_scoped3A : memref<!tpu.dma_semaphore, #tpu.memory_space<semaphore_mem>>) src(%dma_wait3A_170 : memref<4x128xi32, #tpu.memory_space<hbm>>) dst(%arg9 : memref<4x128xi32, #tpu.memory_space<vmem>>)
      tpu.yield
    }) : () -> ()
    %dma_start3A = arith.constant 0 : i32
    %dma_start3A_3 = arith.constant 0 : i32
    %dma_start3A_4 = arith.constant 0 : i32
    %dma_start3A_5 = tpu.memref_slice %arg10[%dma_start3A_3, %dma_start3A_4] : memref<512x16xf32, #tpu.memory_space<vmem>> -> memref<128x16xf32, #tpu.memory_space<vmem>>
    %dma_start3A_6 = arith.constant 0 : i32
    %dma_start3A_7 = tpu.memref_slice %arg8[%dma_start3A, %dma_start3A_6] : memref<4x128xi32, #tpu.memory_space<vmem>> -> memref<1x128xi32, #tpu.memory_space<vmem>>
    %dma_start3A_8 = tpu.memref_squeeze %dma_start3A_7 : memref<1x128xi32, #tpu.memory_space<vmem>> -> memref<128xi32, #tpu.memory_space<vmem>>
    %dma_start3A_9 = arith.constant 0 : i32
    %dma_start3A_10 = arith.constant 0 : i32
    %dma_start3A_11 = tpu.memref_slice %arg2[%dma_start3A_9, %dma_start3A_10] : memref<1015808x16xf32, #tpu.memory_space<hbm>> -> memref<1015808x16xf32, #tpu.memory_space<hbm>>
    tpu.enqueue_indirect_dma source(%dma_start3A_11 : memref<1015808x16xf32, #tpu.memory_space<hbm>>) target(%dma_start3A_5 : memref<128x16xf32, #tpu.memory_space<vmem>>) offsets(%dma_start3A_8 : memref<128xi32, #tpu.memory_space<vmem>>) semaphore(%arg12 : memref<!tpu.dma_semaphore, #tpu.memory_space<semaphore_mem>>)
    %dma_start3A_12 = arith.constant 0 : i32
    %dma_start3A_13 = arith.constant 0 : i32
    %dma_start3A_14 = arith.constant 0 : i32
    %dma_start3A_15 = tpu.memref_slice %arg11[%dma_start3A_13, %dma_start3A_14] : memref<512x16xf32, #tpu.memory_space<vmem>> -> memref<128x16xf32, #tpu.memory_space<vmem>>
    %dma_start3A_16 = arith.constant 0 : i32
    %dma_start3A_17 = tpu.memref_slice %arg9[%dma_start3A_12, %dma_start3A_16] : memref<4x128xi32, #tpu.memory_space<vmem>> -> memref<1x128xi32, #tpu.memory_space<vmem>>
    %dma_start3A_18 = tpu.memref_squeeze %dma_start3A_17 : memref<1x128xi32, #tpu.memory_space<vmem>> -> memref<128xi32, #tpu.memory_space<vmem>>
    %dma_start3A_19 = arith.constant 0 : i32
    %dma_start3A_20 = arith.constant 0 : i32
    %dma_start3A_21 = tpu.memref_slice %arg3[%dma_start3A_19, %dma_start3A_20] : memref<1015808x16xf32, #tpu.memory_space<hbm>> -> memref<1015808x16xf32, #tpu.memory_space<hbm>>
    tpu.enqueue_indirect_dma source(%dma_start3A_21 : memref<1015808x16xf32, #tpu.memory_space<hbm>>) target(%dma_start3A_15 : memref<128x16xf32, #tpu.memory_space<vmem>>) offsets(%dma_start3A_18 : memref<128xi32, #tpu.memory_space<vmem>>) semaphore(%arg12 : memref<!tpu.dma_semaphore, #tpu.memory_space<semaphore_mem>>)
    %dma_start3A_22 = arith.constant 1 : i32
    %dma_start3A_23 = arith.constant 128 : i32
    %dma_start3A_24 = arith.constant 0 : i32
    %dma_start3A_25 = tpu.memref_slice %arg10[%dma_start3A_23, %dma_start3A_24] : memref<512x16xf32, #tpu.memory_space<vmem>> -> memref<128x16xf32, #tpu.memory_space<vmem>>
    %dma_start3A_26 = arith.constant 0 : i32
    %dma_start3A_27 = tpu.memref_slice %arg8[%dma_start3A_22, %dma_start3A_26] : memref<4x128xi32, #tpu.memory_space<vmem>> -> memref<1x128xi32, #tpu.memory_space<vmem>>
    %dma_start3A_28 = tpu.memref_squeeze %dma_start3A_27 : memref<1x128xi32, #tpu.memory_space<vmem>> -> memref<128xi32, #tpu.memory_space<vmem>>
    %dma_start3A_29 = arith.constant 0 : i32
    %dma_start3A_30 = arith.constant 0 : i32
    %dma_start3A_31 = tpu.memref_slice %arg2[%dma_start3A_29, %dma_start3A_30] : memref<1015808x16xf32, #tpu.memory_space<hbm>> -> memref<1015808x16xf32, #tpu.memory_space<hbm>>
    tpu.enqueue_indirect_dma source(%dma_start3A_31 : memref<1015808x16xf32, #tpu.memory_space<hbm>>) target(%dma_start3A_25 : memref<128x16xf32, #tpu.memory_space<vmem>>) offsets(%dma_start3A_28 : memref<128xi32, #tpu.memory_space<vmem>>) semaphore(%arg12 : memref<!tpu.dma_semaphore, #tpu.memory_space<semaphore_mem>>)
    %dma_start3A_32 = arith.constant 1 : i32
    %dma_start3A_33 = arith.constant 128 : i32
    %dma_start3A_34 = arith.constant 0 : i32
    %dma_start3A_35 = tpu.memref_slice %arg11[%dma_start3A_33, %dma_start3A_34] : memref<512x16xf32, #tpu.memory_space<vmem>> -> memref<128x16xf32, #tpu.memory_space<vmem>>
    %dma_start3A_36 = arith.constant 0 : i32
    %dma_start3A_37 = tpu.memref_slice %arg9[%dma_start3A_32, %dma_start3A_36] : memref<4x128xi32, #tpu.memory_space<vmem>> -> memref<1x128xi32, #tpu.memory_space<vmem>>
    %dma_start3A_38 = tpu.memref_squeeze %dma_start3A_37 : memref<1x128xi32, #tpu.memory_space<vmem>> -> memref<128xi32, #tpu.memory_space<vmem>>
    %dma_start3A_39 = arith.constant 0 : i32
    %dma_start3A_40 = arith.constant 0 : i32
    %dma_start3A_41 = tpu.memref_slice %arg3[%dma_start3A_39, %dma_start3A_40] : memref<1015808x16xf32, #tpu.memory_space<hbm>> -> memref<1015808x16xf32, #tpu.memory_space<hbm>>
    tpu.enqueue_indirect_dma source(%dma_start3A_41 : memref<1015808x16xf32, #tpu.memory_space<hbm>>) target(%dma_start3A_35 : memref<128x16xf32, #tpu.memory_space<vmem>>) offsets(%dma_start3A_38 : memref<128xi32, #tpu.memory_space<vmem>>) semaphore(%arg12 : memref<!tpu.dma_semaphore, #tpu.memory_space<semaphore_mem>>)
    %dma_start3A_42 = arith.constant 2 : i32
    %dma_start3A_43 = arith.constant 256 : i32
    %dma_start3A_44 = arith.constant 0 : i32
    %dma_start3A_45 = tpu.memref_slice %arg10[%dma_start3A_43, %dma_start3A_44] : memref<512x16xf32, #tpu.memory_space<vmem>> -> memref<128x16xf32, #tpu.memory_space<vmem>>
    %dma_start3A_46 = arith.constant 0 : i32
    %dma_start3A_47 = tpu.memref_slice %arg8[%dma_start3A_42, %dma_start3A_46] : memref<4x128xi32, #tpu.memory_space<vmem>> -> memref<1x128xi32, #tpu.memory_space<vmem>>
    %dma_start3A_48 = tpu.memref_squeeze %dma_start3A_47 : memref<1x128xi32, #tpu.memory_space<vmem>> -> memref<128xi32, #tpu.memory_space<vmem>>
    %dma_start3A_49 = arith.constant 0 : i32
    %dma_start3A_50 = arith.constant 0 : i32
    %dma_start3A_51 = tpu.memref_slice %arg2[%dma_start3A_49, %dma_start3A_50] : memref<1015808x16xf32, #tpu.memory_space<hbm>> -> memref<1015808x16xf32, #tpu.memory_space<hbm>>
    tpu.enqueue_indirect_dma source(%dma_start3A_51 : memref<1015808x16xf32, #tpu.memory_space<hbm>>) target(%dma_start3A_45 : memref<128x16xf32, #tpu.memory_space<vmem>>) offsets(%dma_start3A_48 : memref<128xi32, #tpu.memory_space<vmem>>) semaphore(%arg12 : memref<!tpu.dma_semaphore, #tpu.memory_space<semaphore_mem>>)
    %dma_start3A_52 = arith.constant 2 : i32
    %dma_start3A_53 = arith.constant 256 : i32
    %dma_start3A_54 = arith.constant 0 : i32
    %dma_start3A_55 = tpu.memref_slice %arg11[%dma_start3A_53, %dma_start3A_54] : memref<512x16xf32, #tpu.memory_space<vmem>> -> memref<128x16xf32, #tpu.memory_space<vmem>>
    %dma_start3A_56 = arith.constant 0 : i32
    %dma_start3A_57 = tpu.memref_slice %arg9[%dma_start3A_52, %dma_start3A_56] : memref<4x128xi32, #tpu.memory_space<vmem>> -> memref<1x128xi32, #tpu.memory_space<vmem>>
    %dma_start3A_58 = tpu.memref_squeeze %dma_start3A_57 : memref<1x128xi32, #tpu.memory_space<vmem>> -> memref<128xi32, #tpu.memory_space<vmem>>
    %dma_start3A_59 = arith.constant 0 : i32
    %dma_start3A_60 = arith.constant 0 : i32
    %dma_start3A_61 = tpu.memref_slice %arg3[%dma_start3A_59, %dma_start3A_60] : memref<1015808x16xf32, #tpu.memory_space<hbm>> -> memref<1015808x16xf32, #tpu.memory_space<hbm>>
    tpu.enqueue_indirect_dma source(%dma_start3A_61 : memref<1015808x16xf32, #tpu.memory_space<hbm>>) target(%dma_start3A_55 : memref<128x16xf32, #tpu.memory_space<vmem>>) offsets(%dma_start3A_58 : memref<128xi32, #tpu.memory_space<vmem>>) semaphore(%arg12 : memref<!tpu.dma_semaphore, #tpu.memory_space<semaphore_mem>>)
    %dma_start3A_62 = arith.constant 3 : i32
    %dma_start3A_63 = arith.constant 384 : i32
    %dma_start3A_64 = arith.constant 0 : i32
    %dma_start3A_65 = tpu.memref_slice %arg10[%dma_start3A_63, %dma_start3A_64] : memref<512x16xf32, #tpu.memory_space<vmem>> -> memref<128x16xf32, #tpu.memory_space<vmem>>
    %dma_start3A_66 = arith.constant 0 : i32
    %dma_start3A_67 = tpu.memref_slice %arg8[%dma_start3A_62, %dma_start3A_66] : memref<4x128xi32, #tpu.memory_space<vmem>> -> memref<1x128xi32, #tpu.memory_space<vmem>>
    %dma_start3A_68 = tpu.memref_squeeze %dma_start3A_67 : memref<1x128xi32, #tpu.memory_space<vmem>> -> memref<128xi32, #tpu.memory_space<vmem>>
    %dma_start3A_69 = arith.constant 0 : i32
    %dma_start3A_70 = arith.constant 0 : i32
    %dma_start3A_71 = tpu.memref_slice %arg2[%dma_start3A_69, %dma_start3A_70] : memref<1015808x16xf32, #tpu.memory_space<hbm>> -> memref<1015808x16xf32, #tpu.memory_space<hbm>>
    tpu.enqueue_indirect_dma source(%dma_start3A_71 : memref<1015808x16xf32, #tpu.memory_space<hbm>>) target(%dma_start3A_65 : memref<128x16xf32, #tpu.memory_space<vmem>>) offsets(%dma_start3A_68 : memref<128xi32, #tpu.memory_space<vmem>>) semaphore(%arg12 : memref<!tpu.dma_semaphore, #tpu.memory_space<semaphore_mem>>)
    %dma_start3A_72 = arith.constant 3 : i32
    %dma_start3A_73 = arith.constant 384 : i32
    %dma_start3A_74 = arith.constant 0 : i32
    %dma_start3A_75 = tpu.memref_slice %arg11[%dma_start3A_73, %dma_start3A_74] : memref<512x16xf32, #tpu.memory_space<vmem>> -> memref<128x16xf32, #tpu.memory_space<vmem>>
    %dma_start3A_76 = arith.constant 0 : i32
    %dma_start3A_77 = tpu.memref_slice %arg9[%dma_start3A_72, %dma_start3A_76] : memref<4x128xi32, #tpu.memory_space<vmem>> -> memref<1x128xi32, #tpu.memory_space<vmem>>
    %dma_start3A_78 = tpu.memref_squeeze %dma_start3A_77 : memref<1x128xi32, #tpu.memory_space<vmem>> -> memref<128xi32, #tpu.memory_space<vmem>>
    %dma_start3A_79 = arith.constant 0 : i32
    %dma_start3A_80 = arith.constant 0 : i32
    %dma_start3A_81 = tpu.memref_slice %arg3[%dma_start3A_79, %dma_start3A_80] : memref<1015808x16xf32, #tpu.memory_space<hbm>> -> memref<1015808x16xf32, #tpu.memory_space<hbm>>
    tpu.enqueue_indirect_dma source(%dma_start3A_81 : memref<1015808x16xf32, #tpu.memory_space<hbm>>) target(%dma_start3A_75 : memref<128x16xf32, #tpu.memory_space<vmem>>) offsets(%dma_start3A_78 : memref<128xi32, #tpu.memory_space<vmem>>) semaphore(%arg12 : memref<!tpu.dma_semaphore, #tpu.memory_space<semaphore_mem>>)
    %dma_wait3A = arith.constant 0 : i32
    %dma_wait3A_82 = arith.constant 0 : i32
    %dma_wait3A_83 = arith.constant 0 : i32
    %dma_wait3A_84 = tpu.memref_slice %arg10[%dma_wait3A_82, %dma_wait3A_83] : memref<512x16xf32, #tpu.memory_space<vmem>> -> memref<128x16xf32, #tpu.memory_space<vmem>>
    %dma_wait3A_85 = arith.constant 0 : i32
    %dma_wait3A_86 = tpu.memref_slice %arg8[%dma_wait3A, %dma_wait3A_85] : memref<4x128xi32, #tpu.memory_space<vmem>> -> memref<1x128xi32, #tpu.memory_space<vmem>>
    %dma_wait3A_87 = tpu.memref_squeeze %dma_wait3A_86 : memref<1x128xi32, #tpu.memory_space<vmem>> -> memref<128xi32, #tpu.memory_space<vmem>>
    %dma_wait3A_88 = arith.constant 0 : i32
    %dma_wait3A_89 = arith.constant 0 : i32
    %dma_wait3A_90 = tpu.memref_slice %arg2[%dma_wait3A_88, %dma_wait3A_89] : memref<1015808x16xf32, #tpu.memory_space<hbm>> -> memref<1015808x16xf32, #tpu.memory_space<hbm>>
    tpu.wait_indirect_dma semaphore(%arg12 : memref<!tpu.dma_semaphore, #tpu.memory_space<semaphore_mem>>) src(%dma_wait3A_90 : memref<1015808x16xf32, #tpu.memory_space<hbm>>) dst(%dma_wait3A_84 : memref<128x16xf32, #tpu.memory_space<vmem>>)
    %dma_wait3A_91 = arith.constant 0 : i32
    %dma_wait3A_92 = arith.constant 0 : i32
    %dma_wait3A_93 = arith.constant 0 : i32
    %dma_wait3A_94 = tpu.memref_slice %arg11[%dma_wait3A_92, %dma_wait3A_93] : memref<512x16xf32, #tpu.memory_space<vmem>> -> memref<128x16xf32, #tpu.memory_space<vmem>>
    %dma_wait3A_95 = arith.constant 0 : i32
    %dma_wait3A_96 = tpu.memref_slice %arg9[%dma_wait3A_91, %dma_wait3A_95] : memref<4x128xi32, #tpu.memory_space<vmem>> -> memref<1x128xi32, #tpu.memory_space<vmem>>
    %dma_wait3A_97 = tpu.memref_squeeze %dma_wait3A_96 : memref<1x128xi32, #tpu.memory_space<vmem>> -> memref<128xi32, #tpu.memory_space<vmem>>
    %dma_wait3A_98 = arith.constant 0 : i32
    %dma_wait3A_99 = arith.constant 0 : i32
    %dma_wait3A_100 = tpu.memref_slice %arg3[%dma_wait3A_98, %dma_wait3A_99] : memref<1015808x16xf32, #tpu.memory_space<hbm>> -> memref<1015808x16xf32, #tpu.memory_space<hbm>>
    tpu.wait_indirect_dma semaphore(%arg12 : memref<!tpu.dma_semaphore, #tpu.memory_space<semaphore_mem>>) src(%dma_wait3A_100 : memref<1015808x16xf32, #tpu.memory_space<hbm>>) dst(%dma_wait3A_94 : memref<128x16xf32, #tpu.memory_space<vmem>>)
    %dma_wait3A_101 = arith.constant 1 : i32
    %dma_wait3A_102 = arith.constant 128 : i32
    %dma_wait3A_103 = arith.constant 0 : i32
    %dma_wait3A_104 = tpu.memref_slice %arg10[%dma_wait3A_102, %dma_wait3A_103] : memref<512x16xf32, #tpu.memory_space<vmem>> -> memref<128x16xf32, #tpu.memory_space<vmem>>
    %dma_wait3A_105 = arith.constant 0 : i32
    %dma_wait3A_106 = tpu.memref_slice %arg8[%dma_wait3A_101, %dma_wait3A_105] : memref<4x128xi32, #tpu.memory_space<vmem>> -> memref<1x128xi32, #tpu.memory_space<vmem>>
    %dma_wait3A_107 = tpu.memref_squeeze %dma_wait3A_106 : memref<1x128xi32, #tpu.memory_space<vmem>> -> memref<128xi32, #tpu.memory_space<vmem>>
    %dma_wait3A_108 = arith.constant 0 : i32
    %dma_wait3A_109 = arith.constant 0 : i32
    %dma_wait3A_110 = tpu.memref_slice %arg2[%dma_wait3A_108, %dma_wait3A_109] : memref<1015808x16xf32, #tpu.memory_space<hbm>> -> memref<1015808x16xf32, #tpu.memory_space<hbm>>
    tpu.wait_indirect_dma semaphore(%arg12 : memref<!tpu.dma_semaphore, #tpu.memory_space<semaphore_mem>>) src(%dma_wait3A_110 : memref<1015808x16xf32, #tpu.memory_space<hbm>>) dst(%dma_wait3A_104 : memref<128x16xf32, #tpu.memory_space<vmem>>)
    %dma_wait3A_111 = arith.constant 1 : i32
    %dma_wait3A_112 = arith.constant 128 : i32
    %dma_wait3A_113 = arith.constant 0 : i32
    %dma_wait3A_114 = tpu.memref_slice %arg11[%dma_wait3A_112, %dma_wait3A_113] : memref<512x16xf32, #tpu.memory_space<vmem>> -> memref<128x16xf32, #tpu.memory_space<vmem>>
    %dma_wait3A_115 = arith.constant 0 : i32
    %dma_wait3A_116 = tpu.memref_slice %arg9[%dma_wait3A_111, %dma_wait3A_115] : memref<4x128xi32, #tpu.memory_space<vmem>> -> memref<1x128xi32, #tpu.memory_space<vmem>>
    %dma_wait3A_117 = tpu.memref_squeeze %dma_wait3A_116 : memref<1x128xi32, #tpu.memory_space<vmem>> -> memref<128xi32, #tpu.memory_space<vmem>>
    %dma_wait3A_118 = arith.constant 0 : i32
    %dma_wait3A_119 = arith.constant 0 : i32
    %dma_wait3A_120 = tpu.memref_slice %arg3[%dma_wait3A_118, %dma_wait3A_119] : memref<1015808x16xf32, #tpu.memory_space<hbm>> -> memref<1015808x16xf32, #tpu.memory_space<hbm>>
    tpu.wait_indirect_dma semaphore(%arg12 : memref<!tpu.dma_semaphore, #tpu.memory_space<semaphore_mem>>) src(%dma_wait3A_120 : memref<1015808x16xf32, #tpu.memory_space<hbm>>) dst(%dma_wait3A_114 : memref<128x16xf32, #tpu.memory_space<vmem>>)
    %dma_wait3A_121 = arith.constant 2 : i32
    %dma_wait3A_122 = arith.constant 256 : i32
    %dma_wait3A_123 = arith.constant 0 : i32
    %dma_wait3A_124 = tpu.memref_slice %arg10[%dma_wait3A_122, %dma_wait3A_123] : memref<512x16xf32, #tpu.memory_space<vmem>> -> memref<128x16xf32, #tpu.memory_space<vmem>>
    %dma_wait3A_125 = arith.constant 0 : i32
    %dma_wait3A_126 = tpu.memref_slice %arg8[%dma_wait3A_121, %dma_wait3A_125] : memref<4x128xi32, #tpu.memory_space<vmem>> -> memref<1x128xi32, #tpu.memory_space<vmem>>
    %dma_wait3A_127 = tpu.memref_squeeze %dma_wait3A_126 : memref<1x128xi32, #tpu.memory_space<vmem>> -> memref<128xi32, #tpu.memory_space<vmem>>
    %dma_wait3A_128 = arith.constant 0 : i32
    %dma_wait3A_129 = arith.constant 0 : i32
    %dma_wait3A_130 = tpu.memref_slice %arg2[%dma_wait3A_128, %dma_wait3A_129] : memref<1015808x16xf32, #tpu.memory_space<hbm>> -> memref<1015808x16xf32, #tpu.memory_space<hbm>>
    tpu.wait_indirect_dma semaphore(%arg12 : memref<!tpu.dma_semaphore, #tpu.memory_space<semaphore_mem>>) src(%dma_wait3A_130 : memref<1015808x16xf32, #tpu.memory_space<hbm>>) dst(%dma_wait3A_124 : memref<128x16xf32, #tpu.memory_space<vmem>>)
    %dma_wait3A_131 = arith.constant 2 : i32
    %dma_wait3A_132 = arith.constant 256 : i32
    %dma_wait3A_133 = arith.constant 0 : i32
    %dma_wait3A_134 = tpu.memref_slice %arg11[%dma_wait3A_132, %dma_wait3A_133] : memref<512x16xf32, #tpu.memory_space<vmem>> -> memref<128x16xf32, #tpu.memory_space<vmem>>
    %dma_wait3A_135 = arith.constant 0 : i32
    %dma_wait3A_136 = tpu.memref_slice %arg9[%dma_wait3A_131, %dma_wait3A_135] : memref<4x128xi32, #tpu.memory_space<vmem>> -> memref<1x128xi32, #tpu.memory_space<vmem>>
    %dma_wait3A_137 = tpu.memref_squeeze %dma_wait3A_136 : memref<1x128xi32, #tpu.memory_space<vmem>> -> memref<128xi32, #tpu.memory_space<vmem>>
    %dma_wait3A_138 = arith.constant 0 : i32
    %dma_wait3A_139 = arith.constant 0 : i32
    %dma_wait3A_140 = tpu.memref_slice %arg3[%dma_wait3A_138, %dma_wait3A_139] : memref<1015808x16xf32, #tpu.memory_space<hbm>> -> memref<1015808x16xf32, #tpu.memory_space<hbm>>
    tpu.wait_indirect_dma semaphore(%arg12 : memref<!tpu.dma_semaphore, #tpu.memory_space<semaphore_mem>>) src(%dma_wait3A_140 : memref<1015808x16xf32, #tpu.memory_space<hbm>>) dst(%dma_wait3A_134 : memref<128x16xf32, #tpu.memory_space<vmem>>)
    %dma_wait3A_141 = arith.constant 3 : i32
    %dma_wait3A_142 = arith.constant 384 : i32
    %dma_wait3A_143 = arith.constant 0 : i32
    %dma_wait3A_144 = tpu.memref_slice %arg10[%dma_wait3A_142, %dma_wait3A_143] : memref<512x16xf32, #tpu.memory_space<vmem>> -> memref<128x16xf32, #tpu.memory_space<vmem>>
    %dma_wait3A_145 = arith.constant 0 : i32
    %dma_wait3A_146 = tpu.memref_slice %arg8[%dma_wait3A_141, %dma_wait3A_145] : memref<4x128xi32, #tpu.memory_space<vmem>> -> memref<1x128xi32, #tpu.memory_space<vmem>>
    %dma_wait3A_147 = tpu.memref_squeeze %dma_wait3A_146 : memref<1x128xi32, #tpu.memory_space<vmem>> -> memref<128xi32, #tpu.memory_space<vmem>>
    %dma_wait3A_148 = arith.constant 0 : i32
    %dma_wait3A_149 = arith.constant 0 : i32
    %dma_wait3A_150 = tpu.memref_slice %arg2[%dma_wait3A_148, %dma_wait3A_149] : memref<1015808x16xf32, #tpu.memory_space<hbm>> -> memref<1015808x16xf32, #tpu.memory_space<hbm>>
    tpu.wait_indirect_dma semaphore(%arg12 : memref<!tpu.dma_semaphore, #tpu.memory_space<semaphore_mem>>) src(%dma_wait3A_150 : memref<1015808x16xf32, #tpu.memory_space<hbm>>) dst(%dma_wait3A_144 : memref<128x16xf32, #tpu.memory_space<vmem>>)
    %dma_wait3A_151 = arith.constant 3 : i32
    %dma_wait3A_152 = arith.constant 384 : i32
    %dma_wait3A_153 = arith.constant 0 : i32
    %dma_wait3A_154 = tpu.memref_slice %arg11[%dma_wait3A_152, %dma_wait3A_153] : memref<512x16xf32, #tpu.memory_space<vmem>> -> memref<128x16xf32, #tpu.memory_space<vmem>>
    %dma_wait3A_155 = arith.constant 0 : i32
    %dma_wait3A_156 = tpu.memref_slice %arg9[%dma_wait3A_151, %dma_wait3A_155] : memref<4x128xi32, #tpu.memory_space<vmem>> -> memref<1x128xi32, #tpu.memory_space<vmem>>
    %dma_wait3A_157 = tpu.memref_squeeze %dma_wait3A_156 : memref<1x128xi32, #tpu.memory_space<vmem>> -> memref<128xi32, #tpu.memory_space<vmem>>
    %dma_wait3A_158 = arith.constant 0 : i32
    %dma_wait3A_159 = arith.constant 0 : i32
    %dma_wait3A_160 = tpu.memref_slice %arg3[%dma_wait3A_158, %dma_wait3A_159] : memref<1015808x16xf32, #tpu.memory_space<hbm>> -> memref<1015808x16xf32, #tpu.memory_space<hbm>>
    tpu.wait_indirect_dma semaphore(%arg12 : memref<!tpu.dma_semaphore, #tpu.memory_space<semaphore_mem>>) src(%dma_wait3A_160 : memref<1015808x16xf32, #tpu.memory_space<hbm>>) dst(%dma_wait3A_154 : memref<128x16xf32, #tpu.memory_space<vmem>>)
    %mul3A_161 = arith.constant 512 : i32
    %mul3A_162 = arith.muli %add3A, %mul3A_161 : i32
    "tpu.region"() ({
      %run_scoped3A = tpu.sem_alloc : memref<!tpu.dma_semaphore, #tpu.memory_space<semaphore_mem>>
      %dma_start3A_163 = arith.constant 0 : i32
      %dma_start3A_164 = tpu.memref_slice %arg6[%mul3A_162, %dma_start3A_163] : memref<16384x16xf32, #tpu.memory_space<hbm>> -> memref<512x16xf32, #tpu.memory_space<hbm>>
      %dma_start3A_165 = arith.constant 0 : i32
      %dma_start3A_166 = tpu.memref_slice %arg6[%mul3A_162, %dma_start3A_165] : memref<16384x16xf32, #tpu.memory_space<hbm>> -> memref<512x16xf32, #tpu.memory_space<hbm>>
      tpu.enqueue_dma source(%arg10 : memref<512x16xf32, #tpu.memory_space<vmem>>) target(%dma_start3A_166 : memref<512x16xf32, #tpu.memory_space<hbm>>) target_semaphore(%run_scoped3A : memref<!tpu.dma_semaphore, #tpu.memory_space<semaphore_mem>>)
      %dma_wait3A_167 = arith.constant 0 : i32
      %dma_wait3A_168 = tpu.memref_slice %arg6[%mul3A_162, %dma_wait3A_167] : memref<16384x16xf32, #tpu.memory_space<hbm>> -> memref<512x16xf32, #tpu.memory_space<hbm>>
      %dma_wait3A_169 = arith.constant 0 : i32
      %dma_wait3A_170 = tpu.memref_slice %arg6[%mul3A_162, %dma_wait3A_169] : memref<16384x16xf32, #tpu.memory_space<hbm>> -> memref<512x16xf32, #tpu.memory_space<hbm>>
      tpu.wait_dma2 semaphore(%run_scoped3A : memref<!tpu.dma_semaphore, #tpu.memory_space<semaphore_mem>>) src(%arg10 : memref<512x16xf32, #tpu.memory_space<vmem>>) dst(%dma_wait3A_170 : memref<512x16xf32, #tpu.memory_space<hbm>>)
      tpu.yield
    }) : () -> ()
    "tpu.region"() ({
      %run_scoped3A = tpu.sem_alloc : memref<!tpu.dma_semaphore, #tpu.memory_space<semaphore_mem>>
      %dma_start3A_163 = arith.constant 0 : i32
      %dma_start3A_164 = tpu.memref_slice %arg7[%mul3A_162, %dma_start3A_163] : memref<16384x16xf32, #tpu.memory_space<hbm>> -> memref<512x16xf32, #tpu.memory_space<hbm>>
      %dma_start3A_165 = arith.constant 0 : i32
      %dma_start3A_166 = tpu.memref_slice %arg7[%mul3A_162, %dma_start3A_165] : memref<16384x16xf32, #tpu.memory_space<hbm>> -> memref<512x16xf32, #tpu.memory_space<hbm>>
      tpu.enqueue_dma source(%arg11 : memref<512x16xf32, #tpu.memory_space<vmem>>) target(%dma_start3A_166 : memref<512x16xf32, #tpu.memory_space<hbm>>) target_semaphore(%run_scoped3A : memref<!tpu.dma_semaphore, #tpu.memory_space<semaphore_mem>>)
      %dma_wait3A_167 = arith.constant 0 : i32
      %dma_wait3A_168 = tpu.memref_slice %arg7[%mul3A_162, %dma_wait3A_167] : memref<16384x16xf32, #tpu.memory_space<hbm>> -> memref<512x16xf32, #tpu.memory_space<hbm>>
      %dma_wait3A_169 = arith.constant 0 : i32
      %dma_wait3A_170 = tpu.memref_slice %arg7[%mul3A_162, %dma_wait3A_169] : memref<16384x16xf32, #tpu.memory_space<hbm>> -> memref<512x16xf32, #tpu.memory_space<hbm>>
      tpu.wait_dma2 semaphore(%run_scoped3A : memref<!tpu.dma_semaphore, #tpu.memory_space<semaphore_mem>>) src(%arg11 : memref<512x16xf32, #tpu.memory_space<vmem>>) dst(%dma_wait3A_170 : memref<512x16xf32, #tpu.memory_space<hbm>>)
      tpu.yield
    }) : () -> ()
    return
  }
}

module attributes {stable_mosaic.version = 14 : i64} {
  func.func @_pack_body(%arg0: i32, %arg1: memref<32x8192xf32, #tpu.memory_space<vmem>>, %arg2: memref<32x8192xf32, #tpu.memory_space<vmem>>, %arg3: memref<32x8192xf32, #tpu.memory_space<vmem>>, %arg4: memref<32x8192xf32, #tpu.memory_space<vmem>>, %arg5: memref<32x8192xf32, #tpu.memory_space<vmem>>, %arg6: memref<32x8192xf32, #tpu.memory_space<vmem>>, %arg7: memref<32x8192xf32, #tpu.memory_space<vmem>>, %arg8: memref<32x8192xf32, #tpu.memory_space<vmem>>, %arg9: memref<128x64xbf16, #tpu.memory_space<vmem>>, %arg10: memref<128x64xbf16, #tpu.memory_space<vmem>>, %arg11: memref<8192x64xf32, #tpu.memory_space<vmem>>, %arg12: memref<8192x64xf32, #tpu.memory_space<vmem>>) attributes {dimension_semantics = [#tpu.dimension_semantics<arbitrary>], iteration_bounds = array<i64: 31>, scalar_prefetch = 0 : i64, scratch_operands = 0 : i64, tpu.core_type = #tpu.core_type<tc>, window_params = [{transform_indices = @transform_0, window_bounds = array<i64: 32, 8192>}, {transform_indices = @transform_1, window_bounds = array<i64: 32, 8192>}, {transform_indices = @transform_2, window_bounds = array<i64: 32, 8192>}, {transform_indices = @transform_3, window_bounds = array<i64: 32, 8192>}, {transform_indices = @transform_4, window_bounds = array<i64: 32, 8192>}, {transform_indices = @transform_5, window_bounds = array<i64: 32, 8192>}, {transform_indices = @transform_6, window_bounds = array<i64: 32, 8192>}, {transform_indices = @transform_7, window_bounds = array<i64: 32, 8192>}, {pipeline_mode = #tpu.pipeline_mode<synchronous>, transform_indices = @transform_8, window_bounds = array<i64: 128, 64>}, {pipeline_mode = #tpu.pipeline_mode<synchronous>, transform_indices = @transform_9, window_bounds = array<i64: 128, 64>}, {transform_indices = @transform_10, window_bounds = array<i64: 8192, 64>}, {transform_indices = @transform_11, window_bounds = array<i64: 8192, 64>}]} {
    %get3A = arith.constant 0 : index
    %get3A_0 = arith.constant 0 : index
    %get3A_1 = vector.load %arg9[%get3A, %get3A_0] : memref<128x64xbf16, #tpu.memory_space<vmem>>, vector<128x64xbf16>
    %get3A_2 = arith.constant 0 : index
    %get3A_3 = arith.constant 0 : index
    %get3A_4 = vector.load %arg10[%get3A_2, %get3A_3] : memref<128x64xbf16, #tpu.memory_space<vmem>>, vector<128x64xbf16>
    %get3A_5 = arith.constant 0 : index
    %get3A_6 = arith.constant 0 : index
    %get3A_7 = vector.load %arg1[%get3A_5, %get3A_6] : memref<32x8192xf32, #tpu.memory_space<vmem>>, vector<32x8192xf32>
    %get3A_8 = arith.constant 0 : index
    %get3A_9 = arith.constant 0 : index
    %get3A_10 = vector.load %arg2[%get3A_8, %get3A_9] : memref<32x8192xf32, #tpu.memory_space<vmem>>, vector<32x8192xf32>
    %get3A_11 = arith.constant 0 : index
    %get3A_12 = arith.constant 0 : index
    %get3A_13 = vector.load %arg3[%get3A_11, %get3A_12] : memref<32x8192xf32, #tpu.memory_space<vmem>>, vector<32x8192xf32>
    %get3A_14 = arith.constant 0 : index
    %get3A_15 = arith.constant 0 : index
    %get3A_16 = vector.load %arg4[%get3A_14, %get3A_15] : memref<32x8192xf32, #tpu.memory_space<vmem>>, vector<32x8192xf32>
    %concatenate3A = tpu.concatenate %get3A_7, %get3A_10, %get3A_13, %get3A_16 in 0 : vector<32x8192xf32>, vector<32x8192xf32>, vector<32x8192xf32>, vector<32x8192xf32> -> vector<128x8192xf32>
    %convert_element_type3A = arith.truncf %concatenate3A : vector<128x8192xf32> to vector<128x8192xbf16>
    %get3A_17 = arith.constant 0 : index
    %get3A_18 = arith.constant 0 : index
    %get3A_19 = vector.load %arg5[%get3A_17, %get3A_18] : memref<32x8192xf32, #tpu.memory_space<vmem>>, vector<32x8192xf32>
    %get3A_20 = arith.constant 0 : index
    %get3A_21 = arith.constant 0 : index
    %get3A_22 = vector.load %arg6[%get3A_20, %get3A_21] : memref<32x8192xf32, #tpu.memory_space<vmem>>, vector<32x8192xf32>
    %get3A_23 = arith.constant 0 : index
    %get3A_24 = arith.constant 0 : index
    %get3A_25 = vector.load %arg7[%get3A_23, %get3A_24] : memref<32x8192xf32, #tpu.memory_space<vmem>>, vector<32x8192xf32>
    %get3A_26 = arith.constant 0 : index
    %get3A_27 = arith.constant 0 : index
    %get3A_28 = vector.load %arg8[%get3A_26, %get3A_27] : memref<32x8192xf32, #tpu.memory_space<vmem>>, vector<32x8192xf32>
    %concatenate3A_29 = tpu.concatenate %get3A_19, %get3A_22, %get3A_25, %get3A_28 in 0 : vector<32x8192xf32>, vector<32x8192xf32>, vector<32x8192xf32>, vector<32x8192xf32> -> vector<128x8192xf32>
    %convert_element_type3A_30 = arith.truncf %concatenate3A_29 : vector<128x8192xf32> to vector<128x8192xbf16>
    %dot_general3A = arith.constant dense<0.000000e+00> : vector<8192x64xf32>
    %dot_general3A_31 = tpu.matmul %convert_element_type3A, %get3A_1, %dot_general3A {dimension_numbers = #tpu.dot_dimension_numbers<[0], [0], [1], [1], [0, 1, 1, 1], [], []>, transpose_lhs_hint = false} : vector<128x8192xbf16>, vector<128x64xbf16>, vector<8192x64xf32> -> vector<8192x64xf32>
    %dot_general3A_32 = arith.constant dense<0.000000e+00> : vector<8192x64xf32>
    %dot_general3A_33 = tpu.matmul %convert_element_type3A, %get3A_4, %dot_general3A_32 {dimension_numbers = #tpu.dot_dimension_numbers<[0], [0], [1], [1], [0, 1, 1, 1], [], []>, transpose_lhs_hint = false} : vector<128x8192xbf16>, vector<128x64xbf16>, vector<8192x64xf32> -> vector<8192x64xf32>
    %convert_element_type3A_34 = arith.truncf %dot_general3A_31 : vector<8192x64xf32> to vector<8192x64xbf16>
    %convert_element_type3A_35 = arith.extf %convert_element_type3A_34 : vector<8192x64xbf16> to vector<8192x64xf32>
    %convert_element_type3A_36 = arith.truncf %dot_general3A_33 : vector<8192x64xf32> to vector<8192x64xbf16>
    %convert_element_type3A_37 = arith.extf %convert_element_type3A_36 : vector<8192x64xbf16> to vector<8192x64xf32>
    %pack_elementwise3A = tpu.pack_elementwise %convert_element_type3A_35, %convert_element_type3A_37 {target_type = bf16} : vector<8192x64xf32>, vector<8192x64xf32> -> vector<8192x64xi32>
    %bitcast3A = tpu.bitcast %pack_elementwise3A : vector<8192x64xi32> -> vector<8192x64xf32>
    %swap3A = arith.constant 0 : index
    %swap3A_38 = arith.constant 0 : index
    %swap3A_39 = vector.load %arg11[%swap3A, %swap3A_38] : memref<8192x64xf32, #tpu.memory_space<vmem>>, vector<8192x64xf32>
    tpu.vector_store %arg11[%swap3A, %swap3A_38], %bitcast3A {strides = array<i32>} : memref<8192x64xf32, #tpu.memory_space<vmem>>, vector<8192x64xf32>,
    %dot_general3A_40 = arith.constant dense<0.000000e+00> : vector<8192x64xf32>
    %dot_general3A_41 = tpu.matmul %convert_element_type3A_30, %get3A_1, %dot_general3A_40 {dimension_numbers = #tpu.dot_dimension_numbers<[0], [0], [1], [1], [0, 1, 1, 1], [], []>, transpose_lhs_hint = false} : vector<128x8192xbf16>, vector<128x64xbf16>, vector<8192x64xf32> -> vector<8192x64xf32>
    %dot_general3A_42 = arith.constant dense<0.000000e+00> : vector<8192x64xf32>
    %dot_general3A_43 = tpu.matmul %convert_element_type3A_30, %get3A_4, %dot_general3A_42 {dimension_numbers = #tpu.dot_dimension_numbers<[0], [0], [1], [1], [0, 1, 1, 1], [], []>, transpose_lhs_hint = false} : vector<128x8192xbf16>, vector<128x64xbf16>, vector<8192x64xf32> -> vector<8192x64xf32>
    %convert_element_type3A_44 = arith.truncf %dot_general3A_41 : vector<8192x64xf32> to vector<8192x64xbf16>
    %convert_element_type3A_45 = arith.extf %convert_element_type3A_44 : vector<8192x64xbf16> to vector<8192x64xf32>
    %convert_element_type3A_46 = arith.truncf %dot_general3A_43 : vector<8192x64xf32> to vector<8192x64xbf16>
    %convert_element_type3A_47 = arith.extf %convert_element_type3A_46 : vector<8192x64xbf16> to vector<8192x64xf32>
    %pack_elementwise3A_48 = tpu.pack_elementwise %convert_element_type3A_45, %convert_element_type3A_47 {target_type = bf16} : vector<8192x64xf32>, vector<8192x64xf32> -> vector<8192x64xi32>
    %bitcast3A_49 = tpu.bitcast %pack_elementwise3A_48 : vector<8192x64xi32> -> vector<8192x64xf32>
    %swap3A_50 = arith.constant 0 : index
    %swap3A_51 = arith.constant 0 : index
    %swap3A_52 = vector.load %arg12[%swap3A_50, %swap3A_51] : memref<8192x64xf32, #tpu.memory_space<vmem>>, vector<8192x64xf32>
    tpu.vector_store %arg12[%swap3A_50, %swap3A_51], %bitcast3A_49 {strides = array<i32>} : memref<8192x64xf32, #tpu.memory_space<vmem>>, vector<8192x64xf32>,
    return
  }
  func.func @transform_0(%arg0: i32) -> (i32, i32) {
    %mul3A = arith.constant 4 : i32
    %mul3A_0 = arith.muli %mul3A, %arg0 : i32
    %add3A = arith.constant 0 : i32
    %add3A_1 = arith.addi %mul3A_0, %add3A : i32
    %min3A = arith.constant 122 : i32
    %min3A_2 = arith.minsi %add3A_1, %min3A : i32
    %c0_i32 = arith.constant 0 : i32
    %c0_i32_3 = arith.constant 0 : i32
    return %c0_i32, %min3A_2 : i32, i32
  }
  func.func @transform_1(%arg0: i32) -> (i32, i32) {
    %mul3A = arith.constant 4 : i32
    %mul3A_0 = arith.muli %mul3A, %arg0 : i32
    %add3A = arith.constant 1 : i32
    %add3A_1 = arith.addi %mul3A_0, %add3A : i32
    %min3A = arith.constant 122 : i32
    %min3A_2 = arith.minsi %add3A_1, %min3A : i32
    %c0_i32 = arith.constant 0 : i32
    %c0_i32_3 = arith.constant 0 : i32
    return %c0_i32, %min3A_2 : i32, i32
  }
  func.func @transform_2(%arg0: i32) -> (i32, i32) {
    %mul3A = arith.constant 4 : i32
    %mul3A_0 = arith.muli %mul3A, %arg0 : i32
    %add3A = arith.constant 2 : i32
    %add3A_1 = arith.addi %mul3A_0, %add3A : i32
    %min3A = arith.constant 122 : i32
    %min3A_2 = arith.minsi %add3A_1, %min3A : i32
    %c0_i32 = arith.constant 0 : i32
    %c0_i32_3 = arith.constant 0 : i32
    return %c0_i32, %min3A_2 : i32, i32
  }
  func.func @transform_3(%arg0: i32) -> (i32, i32) {
    %mul3A = arith.constant 4 : i32
    %mul3A_0 = arith.muli %mul3A, %arg0 : i32
    %add3A = arith.constant 3 : i32
    %add3A_1 = arith.addi %mul3A_0, %add3A : i32
    %min3A = arith.constant 122 : i32
    %min3A_2 = arith.minsi %add3A_1, %min3A : i32
    %c0_i32 = arith.constant 0 : i32
    %c0_i32_3 = arith.constant 0 : i32
    return %c0_i32, %min3A_2 : i32, i32
  }
  func.func @transform_4(%arg0: i32) -> (i32, i32) {
    %mul3A = arith.constant 4 : i32
    %mul3A_0 = arith.muli %mul3A, %arg0 : i32
    %add3A = arith.constant 0 : i32
    %add3A_1 = arith.addi %mul3A_0, %add3A : i32
    %min3A = arith.constant 122 : i32
    %min3A_2 = arith.minsi %add3A_1, %min3A : i32
    %c0_i32 = arith.constant 0 : i32
    %c0_i32_3 = arith.constant 0 : i32
    return %c0_i32, %min3A_2 : i32, i32
  }
  func.func @transform_5(%arg0: i32) -> (i32, i32) {
    %mul3A = arith.constant 4 : i32
    %mul3A_0 = arith.muli %mul3A, %arg0 : i32
    %add3A = arith.constant 1 : i32
    %add3A_1 = arith.addi %mul3A_0, %add3A : i32
    %min3A = arith.constant 122 : i32
    %min3A_2 = arith.minsi %add3A_1, %min3A : i32
    %c0_i32 = arith.constant 0 : i32
    %c0_i32_3 = arith.constant 0 : i32
    return %c0_i32, %min3A_2 : i32, i32
  }
  func.func @transform_6(%arg0: i32) -> (i32, i32) {
    %mul3A = arith.constant 4 : i32
    %mul3A_0 = arith.muli %mul3A, %arg0 : i32
    %add3A = arith.constant 2 : i32
    %add3A_1 = arith.addi %mul3A_0, %add3A : i32
    %min3A = arith.constant 122 : i32
    %min3A_2 = arith.minsi %add3A_1, %min3A : i32
    %c0_i32 = arith.constant 0 : i32
    %c0_i32_3 = arith.constant 0 : i32
    return %c0_i32, %min3A_2 : i32, i32
  }
  func.func @transform_7(%arg0: i32) -> (i32, i32) {
    %mul3A = arith.constant 4 : i32
    %mul3A_0 = arith.muli %mul3A, %arg0 : i32
    %add3A = arith.constant 3 : i32
    %add3A_1 = arith.addi %mul3A_0, %add3A : i32
    %min3A = arith.constant 122 : i32
    %min3A_2 = arith.minsi %add3A_1, %min3A : i32
    %c0_i32 = arith.constant 0 : i32
    %c0_i32_3 = arith.constant 0 : i32
    return %c0_i32, %min3A_2 : i32, i32
  }
  func.func @transform_8(%arg0: i32) -> (i32, i32) {
    %c0_i32 = arith.constant 0 : i32
    %c0_i32_0 = arith.constant 0 : i32
    %c0_i32_1 = arith.constant 0 : i32
    return %c0_i32, %c0_i32_0 : i32, i32
  }
  func.func @transform_9(%arg0: i32) -> (i32, i32) {
    %c0_i32 = arith.constant 0 : i32
    %c0_i32_0 = arith.constant 0 : i32
    %c0_i32_1 = arith.constant 0 : i32
    return %c0_i32, %c0_i32_0 : i32, i32
  }
  func.func @transform_10(%arg0: i32) -> (i32, i32) {
    %c0_i32 = arith.constant 0 : i32
    %c0_i32_0 = arith.constant 0 : i32
    return %arg0, %c0_i32 : i32, i32
  }
  func.func @transform_11(%arg0: i32) -> (i32, i32) {
    %c0_i32 = arith.constant 0 : i32
    %c0_i32_0 = arith.constant 0 : i32
    return %arg0, %c0_i32 : i32, i32
  }
}

module attributes {stable_mosaic.version = 14 : i64} {
  func.func @_mlp_body(%arg0: i32, %arg1: memref<2048x16xf32, #tpu.memory_space<vmem>>, %arg2: memref<2048x16xf32, #tpu.memory_space<vmem>>, %arg3: memref<16x64xf32, #tpu.memory_space<vmem>>, %arg4: memref<16x64xf32, #tpu.memory_space<vmem>>, %arg5: memref<16x64xf32, #tpu.memory_space<vmem>>, %arg6: memref<16x64xf32, #tpu.memory_space<vmem>>, %arg7: memref<1x64xf32, #tpu.memory_space<vmem>>, %arg8: memref<64x32xf32, #tpu.memory_space<vmem>>, %arg9: memref<1x32xf32, #tpu.memory_space<vmem>>, %arg10: memref<32x1xf32, #tpu.memory_space<vmem>>, %arg11: memref<1x1xf32, #tpu.memory_space<vmem>>, %arg12: memref<2048x1xf32, #tpu.memory_space<vmem>>) attributes {dimension_semantics = [#tpu.dimension_semantics<arbitrary>], iteration_bounds = array<i64: 8>, scalar_prefetch = 0 : i64, scratch_operands = 0 : i64, tpu.core_type = #tpu.core_type<tc>, window_params = [{transform_indices = @transform_0, window_bounds = array<i64: 2048, 16>}, {transform_indices = @transform_1, window_bounds = array<i64: 2048, 16>}, {pipeline_mode = #tpu.pipeline_mode<synchronous>, transform_indices = @transform_2, window_bounds = array<i64: 16, 64>}, {pipeline_mode = #tpu.pipeline_mode<synchronous>, transform_indices = @transform_3, window_bounds = array<i64: 16, 64>}, {pipeline_mode = #tpu.pipeline_mode<synchronous>, transform_indices = @transform_4, window_bounds = array<i64: 16, 64>}, {pipeline_mode = #tpu.pipeline_mode<synchronous>, transform_indices = @transform_5, window_bounds = array<i64: 16, 64>}, {pipeline_mode = #tpu.pipeline_mode<synchronous>, transform_indices = @transform_6, window_bounds = array<i64: 1, 64>}, {pipeline_mode = #tpu.pipeline_mode<synchronous>, transform_indices = @transform_7, window_bounds = array<i64: 64, 32>}, {pipeline_mode = #tpu.pipeline_mode<synchronous>, transform_indices = @transform_8, window_bounds = array<i64: 1, 32>}, {pipeline_mode = #tpu.pipeline_mode<synchronous>, transform_indices = @transform_9, window_bounds = array<i64: 32, 1>}, {pipeline_mode = #tpu.pipeline_mode<synchronous>, transform_indices = @transform_10, window_bounds = array<i64: 1, 1>}, {transform_indices = @transform_11, window_bounds = array<i64: 2048, 1>}]} {
    %get3A = arith.constant 0 : index
    %get3A_0 = arith.constant 0 : index
    %get3A_1 = vector.load %arg1[%get3A, %get3A_0] : memref<2048x16xf32, #tpu.memory_space<vmem>>, vector<2048x16xf32>
    %bitcast3A = tpu.bitcast %get3A_1 : vector<2048x16xf32> -> vector<2048x16xi32>
    %unpack_elementwise3A = tpu.unpack_elementwise %bitcast3A, 0 {source_type = i16} : vector<2048x16xi32> -> vector<2048x16xi32>
    %unpack_elementwise3A_2 = tpu.unpack_elementwise %bitcast3A, 1 {source_type = i16} : vector<2048x16xi32> -> vector<2048x16xi32>
    %shift_left3A = arith.constant 16 : i32
    %shift_left3A_3 = vector.broadcast %shift_left3A : i32 to vector<2048x16xi32>
    %shift_left3A_4 = arith.shli %unpack_elementwise3A, %shift_left3A_3 : vector<2048x16xi32>
    %bitcast3A_5 = tpu.bitcast %shift_left3A_4 : vector<2048x16xi32> -> vector<2048x16xf32>
    %shift_left3A_6 = arith.constant 16 : i32
    %shift_left3A_7 = vector.broadcast %shift_left3A_6 : i32 to vector<2048x16xi32>
    %shift_left3A_8 = arith.shli %unpack_elementwise3A_2, %shift_left3A_7 : vector<2048x16xi32>
    %bitcast3A_9 = tpu.bitcast %shift_left3A_8 : vector<2048x16xi32> -> vector<2048x16xf32>
    %get3A_10 = arith.constant 0 : index
    %get3A_11 = arith.constant 0 : index
    %get3A_12 = vector.load %arg2[%get3A_10, %get3A_11] : memref<2048x16xf32, #tpu.memory_space<vmem>>, vector<2048x16xf32>
    %bitcast3A_13 = tpu.bitcast %get3A_12 : vector<2048x16xf32> -> vector<2048x16xi32>
    %unpack_elementwise3A_14 = tpu.unpack_elementwise %bitcast3A_13, 0 {source_type = i16} : vector<2048x16xi32> -> vector<2048x16xi32>
    %unpack_elementwise3A_15 = tpu.unpack_elementwise %bitcast3A_13, 1 {source_type = i16} : vector<2048x16xi32> -> vector<2048x16xi32>
    %shift_left3A_16 = arith.constant 16 : i32
    %shift_left3A_17 = vector.broadcast %shift_left3A_16 : i32 to vector<2048x16xi32>
    %shift_left3A_18 = arith.shli %unpack_elementwise3A_14, %shift_left3A_17 : vector<2048x16xi32>
    %bitcast3A_19 = tpu.bitcast %shift_left3A_18 : vector<2048x16xi32> -> vector<2048x16xf32>
    %shift_left3A_20 = arith.constant 16 : i32
    %shift_left3A_21 = vector.broadcast %shift_left3A_20 : i32 to vector<2048x16xi32>
    %shift_left3A_22 = arith.shli %unpack_elementwise3A_15, %shift_left3A_21 : vector<2048x16xi32>
    %bitcast3A_23 = tpu.bitcast %shift_left3A_22 : vector<2048x16xi32> -> vector<2048x16xf32>
    %get3A_24 = arith.constant 0 : index
    %get3A_25 = arith.constant 0 : index
    %get3A_26 = vector.load %arg3[%get3A_24, %get3A_25] : memref<16x64xf32, #tpu.memory_space<vmem>>, vector<16x64xf32>
    %dot_general3A = arith.constant dense<0.000000e+00> : vector<2048x64xf32>
    %dot_general3A_27 = tpu.matmul %bitcast3A_5, %get3A_26, %dot_general3A {dimension_numbers = #tpu.dot_dimension_numbers<[1], [0], [0], [1], [0, 0, 1, 1], [], []>, transpose_lhs_hint = false} : vector<2048x16xf32>, vector<16x64xf32>, vector<2048x64xf32> -> vector<2048x64xf32>
    %get3A_28 = arith.constant 0 : index
    %get3A_29 = arith.constant 0 : index
    %get3A_30 = vector.load %arg4[%get3A_28, %get3A_29] : memref<16x64xf32, #tpu.memory_space<vmem>>, vector<16x64xf32>
    %dot_general3A_31 = arith.constant dense<0.000000e+00> : vector<2048x64xf32>
    %dot_general3A_32 = tpu.matmul %bitcast3A_9, %get3A_30, %dot_general3A_31 {dimension_numbers = #tpu.dot_dimension_numbers<[1], [0], [0], [1], [0, 0, 1, 1], [], []>, transpose_lhs_hint = false} : vector<2048x16xf32>, vector<16x64xf32>, vector<2048x64xf32> -> vector<2048x64xf32>
    %add3A = arith.addf %dot_general3A_27, %dot_general3A_32 : vector<2048x64xf32>
    %get3A_33 = arith.constant 0 : index
    %get3A_34 = arith.constant 0 : index
    %get3A_35 = vector.load %arg5[%get3A_33, %get3A_34] : memref<16x64xf32, #tpu.memory_space<vmem>>, vector<16x64xf32>
    %dot_general3A_36 = arith.constant dense<0.000000e+00> : vector<2048x64xf32>
    %dot_general3A_37 = tpu.matmul %bitcast3A_19, %get3A_35, %dot_general3A_36 {dimension_numbers = #tpu.dot_dimension_numbers<[1], [0], [0], [1], [0, 0, 1, 1], [], []>, transpose_lhs_hint = false} : vector<2048x16xf32>, vector<16x64xf32>, vector<2048x64xf32> -> vector<2048x64xf32>
    %add3A_38 = arith.addf %add3A, %dot_general3A_37 : vector<2048x64xf32>
    %get3A_39 = arith.constant 0 : index
    %get3A_40 = arith.constant 0 : index
    %get3A_41 = vector.load %arg6[%get3A_39, %get3A_40] : memref<16x64xf32, #tpu.memory_space<vmem>>, vector<16x64xf32>
    %dot_general3A_42 = arith.constant dense<0.000000e+00> : vector<2048x64xf32>
    %dot_general3A_43 = tpu.matmul %bitcast3A_23, %get3A_41, %dot_general3A_42 {dimension_numbers = #tpu.dot_dimension_numbers<[1], [0], [0], [1], [0, 0, 1, 1], [], []>, transpose_lhs_hint = false} : vector<2048x16xf32>, vector<16x64xf32>, vector<2048x64xf32> -> vector<2048x64xf32>
    %add3A_44 = arith.addf %add3A_38, %dot_general3A_43 : vector<2048x64xf32>
    %get3A_45 = arith.constant 0 : index
    %get3A_46 = arith.constant 0 : index
    %get3A_47 = vector.load %arg7[%get3A_45, %get3A_46] : memref<1x64xf32, #tpu.memory_space<vmem>>, vector<1x64xf32>
    %add3A_48 = vector.broadcast %get3A_47 : vector<1x64xf32> to vector<2048x64xf32>
    %add3A_49 = arith.addf %add3A_44, %add3A_48 : vector<2048x64xf32>
    %max3A = arith.constant 0.000000e+00 : f32
    %max3A_50 = vector.broadcast %max3A : f32 to vector<2048x64xf32>
    %max3A_51 = arith.maximumf %add3A_49, %max3A_50 : vector<2048x64xf32>
    %get3A_52 = arith.constant 0 : index
    %get3A_53 = arith.constant 0 : index
    %get3A_54 = vector.load %arg8[%get3A_52, %get3A_53] : memref<64x32xf32, #tpu.memory_space<vmem>>, vector<64x32xf32>
    %dot_general3A_55 = arith.constant dense<0.000000e+00> : vector<2048x32xf32>
    %dot_general3A_56 = tpu.matmul %max3A_51, %get3A_54, %dot_general3A_55 {dimension_numbers = #tpu.dot_dimension_numbers<[1], [0], [0], [1], [0, 0, 1, 1], [], []>, transpose_lhs_hint = false} : vector<2048x64xf32>, vector<64x32xf32>, vector<2048x32xf32> -> vector<2048x32xf32>
    %get3A_57 = arith.constant 0 : index
    %get3A_58 = arith.constant 0 : index
    %get3A_59 = vector.load %arg9[%get3A_57, %get3A_58] : memref<1x32xf32, #tpu.memory_space<vmem>>, vector<1x32xf32>
    %add3A_60 = vector.broadcast %get3A_59 : vector<1x32xf32> to vector<2048x32xf32>
    %add3A_61 = arith.addf %dot_general3A_56, %add3A_60 : vector<2048x32xf32>
    %max3A_62 = arith.constant 0.000000e+00 : f32
    %max3A_63 = vector.broadcast %max3A_62 : f32 to vector<2048x32xf32>
    %max3A_64 = arith.maximumf %add3A_61, %max3A_63 : vector<2048x32xf32>
    %get3A_65 = arith.constant 0 : index
    %get3A_66 = arith.constant 0 : index
    %get3A_67 = vector.load %arg10[%get3A_65, %get3A_66] : memref<32x1xf32, #tpu.memory_space<vmem>>, vector<32x1xf32>
    %dot_general3A_68 = arith.constant dense<0.000000e+00> : vector<2048x1xf32>
    %dot_general3A_69 = tpu.matmul %max3A_64, %get3A_67, %dot_general3A_68 {dimension_numbers = #tpu.dot_dimension_numbers<[1], [0], [0], [1], [0, 0, 1, 1], [], []>, transpose_lhs_hint = false} : vector<2048x32xf32>, vector<32x1xf32>, vector<2048x1xf32> -> vector<2048x1xf32>
    %get3A_70 = arith.constant 0 : index
    %get3A_71 = arith.constant 0 : index
    %get3A_72 = vector.load %arg11[%get3A_70, %get3A_71] : memref<1x1xf32, #tpu.memory_space<vmem>>, vector<1x1xf32>
    %add3A_73 = vector.broadcast %get3A_72 : vector<1x1xf32> to vector<2048x1xf32>
    %add3A_74 = arith.addf %dot_general3A_69, %add3A_73 : vector<2048x1xf32>
    %swap3A = arith.constant 0 : index
    %swap3A_75 = arith.constant 0 : index
    %swap3A_76 = vector.load %arg12[%swap3A, %swap3A_75] : memref<2048x1xf32, #tpu.memory_space<vmem>>, vector<2048x1xf32>
    tpu.vector_store %arg12[%swap3A, %swap3A_75], %add3A_74 {strides = array<i32>} : memref<2048x1xf32, #tpu.memory_space<vmem>>, vector<2048x1xf32>,
    return
  }
  func.func @transform_0(%arg0: i32) -> (i32, i32) {
    %c0_i32 = arith.constant 0 : i32
    %c0_i32_0 = arith.constant 0 : i32
    return %arg0, %c0_i32 : i32, i32
  }
  func.func @transform_1(%arg0: i32) -> (i32, i32) {
    %c0_i32 = arith.constant 0 : i32
    %c0_i32_0 = arith.constant 0 : i32
    return %arg0, %c0_i32 : i32, i32
  }
  func.func @transform_2(%arg0: i32) -> (i32, i32) {
    %c0_i32 = arith.constant 0 : i32
    %c0_i32_0 = arith.constant 0 : i32
    %c0_i32_1 = arith.constant 0 : i32
    return %c0_i32, %c0_i32_0 : i32, i32
  }
  func.func @transform_3(%arg0: i32) -> (i32, i32) {
    %c0_i32 = arith.constant 0 : i32
    %c0_i32_0 = arith.constant 0 : i32
    %c0_i32_1 = arith.constant 0 : i32
    return %c0_i32, %c0_i32_0 : i32, i32
  }
  func.func @transform_4(%arg0: i32) -> (i32, i32) {
    %c0_i32 = arith.constant 0 : i32
    %c0_i32_0 = arith.constant 0 : i32
    %c0_i32_1 = arith.constant 0 : i32
    return %c0_i32, %c0_i32_0 : i32, i32
  }
  func.func @transform_5(%arg0: i32) -> (i32, i32) {
    %c0_i32 = arith.constant 0 : i32
    %c0_i32_0 = arith.constant 0 : i32
    %c0_i32_1 = arith.constant 0 : i32
    return %c0_i32, %c0_i32_0 : i32, i32
  }
  func.func @transform_6(%arg0: i32) -> (i32, i32) {
    %c0_i32 = arith.constant 0 : i32
    %c0_i32_0 = arith.constant 0 : i32
    %c0_i32_1 = arith.constant 0 : i32
    return %c0_i32, %c0_i32_0 : i32, i32
  }
  func.func @transform_7(%arg0: i32) -> (i32, i32) {
    %c0_i32 = arith.constant 0 : i32
    %c0_i32_0 = arith.constant 0 : i32
    %c0_i32_1 = arith.constant 0 : i32
    return %c0_i32, %c0_i32_0 : i32, i32
  }
  func.func @transform_8(%arg0: i32) -> (i32, i32) {
    %c0_i32 = arith.constant 0 : i32
    %c0_i32_0 = arith.constant 0 : i32
    %c0_i32_1 = arith.constant 0 : i32
    return %c0_i32, %c0_i32_0 : i32, i32
  }
  func.func @transform_9(%arg0: i32) -> (i32, i32) {
    %c0_i32 = arith.constant 0 : i32
    %c0_i32_0 = arith.constant 0 : i32
    %c0_i32_1 = arith.constant 0 : i32
    return %c0_i32, %c0_i32_0 : i32, i32
  }
  func.func @transform_10(%arg0: i32) -> (i32, i32) {
    %c0_i32 = arith.constant 0 : i32
    %c0_i32_0 = arith.constant 0 : i32
    %c0_i32_1 = arith.constant 0 : i32
    return %c0_i32, %c0_i32_0 : i32, i32
  }
  func.func @transform_11(%arg0: i32) -> (i32, i32) {
    %c0_i32 = arith.constant 0 : i32
    %c0_i32_0 = arith.constant 0 : i32
    return %arg0, %c0_i32 : i32, i32
  }
}

</mosaic_0001>

<sc_bundles>
// kernel: kernel.5.cloned.1.call-start
scs
__scs_entry_jumppad:
0x0: {  	(pc) =	sbr.rel $0x88, $3  }
0x1: {  	(tag) =	ssettag $0x0;
	lr =	simm.s32 $0x1  }
0x2: {  	[smem:$0x3F97] =	sst lr;
	_ =	strace $0xD0000000  }
0x3: {  	_ = 	snop  }
0x4: {  	_ = 	snop  }
0x5: {  	_ = 	snop  }
0x6: {  	_ = 	snop  }
0x7: {  	_ = 	snop  }
__scs_overlays_trampoline_lowered:
0x8: {  	[smem:$0x3FA6] =	sst s0  }
0x9: {  	[smem:$0x3FA7] =	sst s1  }
0xa: {  	[smem:$0x3FA8] =	sst s2  }
0xb: {  	[smem:$0x3FA9] =	sst s3  }
0xc: {  	[smem:$0x3FAA] =	sst s4  }
0xd: {  	[smem:$0x3FAB] =	sst s5  }
0xe: {  	[smem:$0x3FAC] =	sst s6  }
0xf: {  	[smem:$0x3FAD] =	sst s7  }
0x10: {  	[smem:$0x3FAE] =	sst s8  }
0x11: {  	[smem:$0x3FAF] =	sst s9;
	s0 =	simm.s32 @!p0 $0x0  }
0x12: {  	s1 =	sld [smem:$0x3F95];
	s0 =	simm.s32 @p0 $0x1  }
0x13: {  	[smem:$0x3FB0] =	sst s0;
	s0 =	simm.s32 @!p1 $0x0  }
0x14: {  	s2 =	sld [smem:$0x3F94];
	s0 =	simm.s32 @p1 $0x1  }
0x15: {  	[smem:$0x3FB1] =	sst s0;
	s0 =	simm.s32 @!p2 $0x0  }
0x16: {  	s3 =	sld [smem:$0x3FDB];
	s0 =	simm.s32 @p2 $0x1  }
0x17: {  	s4 =	simm.s32 $0x1BF5;
	[smem:$0x3FB3] =	sst s0  }
0x18: {  	s0 =	sld [smem:$0x3F96];
	_ =	swait.ge [sflag:s4], $0x0  }
0x19: {  	s7 =	sld [smem:$0x3F97]  }
0x1a: {  	s8 =	sadd.s32 $0xFFFFE003, lr  }
0x1b: {  	s9 =	sadd.s32 $0xFFFFFEF7, lr;
	s5 =	simm.s32 $0xFFFFFFFF;
	p2 =	slt.u32 s8, $0xFFFFF086  }
0x1c: {  	p1 =	slt.u32 s9, $0xF7A;
	s5 =	simm.s32 @!p2 $0x0  }
0x1d: {  	s5 =	simm.s32 @p1 $0x1;
	p0 =	seq.s32 s7, s2  }
0x1e: {  	s7 =	smul.u32 @!p0 $0xF7A, s2;
	p2 =	seq.s32 @!p0 s5, $0x0  }
0x1f: {  	s9 =	smul.u32 $0xF7A, s1;
	s8 =	simm.s32 @!p0 $0x1BF5;
	p2 =	por !p2, p0  }
0x20: {  	[sflag:s8] =	ssyncset.s32 @!p0 $0xFFFFF086;
	s6 =	sadd.s32 @!p0 s3, s7;
	s7 =	simm.s32 @!p0 $0x108  }
0x21: {  	s3 =	sadd.s32 s3, s9;
	s6 =	sadd.s32 @!p0 $0x88, s6;
	s7 =	simm.s32 @p2 $0x1082  }
0x22: {  	[simem:s7], [sflag:s8] =	dma.local @!p0 [hbm:s6], $0xF7A  }
0x23: {  	s9 =	sor.u32 $0xD0000000, s2;
	s6 =	simm.s32 $0x108;
	_ =	swait.ge @!p0 [sflag:s8], $0x0  }
0x24: {  	s3 =	sadd.s32 $0x88, s3;
	s6 =	simm.s32 @!p1 $0x1082;
	[sflag:s4] =	ssyncset.s32 $0xFFFFF086  }
0x25: {  	[simem:s6], [sflag:s4] =	dma.local [hbm:s3], $0xF7A  }
0x26: {  	[smem:$0x3F97] =	sst s1;
	(tag) =	ssettag s2;
	_ =	strace s9  }
0x27: {  	s1 =	sld [smem:$0x3FA7]  }
0x28: {  	s2 =	sld [smem:$0x3FA8]  }
0x29: {  	s4 =	sld [smem:$0x3FAA]  }
0x2a: {  	p0 =	seq.s32 s5, $0x0;
	s5 =	sld [smem:$0x3FAB]  }
0x2b: {  	s6 =	sld [smem:$0x3FAC]  }
0x2c: {  	s7 =	sld [smem:$0x3FAD]  }
0x2d: {  	s3 =	simm.s32 $0x108;
	s8 =	sld [smem:$0x3FAE]  }
0x2e: {  	s3 =	simm.s32 @!p0 $0x1082;
	s9 =	sld [smem:$0x3FAF]  }
0x2f: {  	lr =	sadd.s32 s0, s3;
	s0 =	sld [smem:$0x3FA6]  }
0x30: {  	s3 =	sld [smem:$0x3FA9]  }
0x31: {  	[smem:$0x3FB2] =	sst s10  }
0x32: {  	s10 =	sld [smem:$0x3FB0];
	_ =	sdelay $0x3  }
0x33: {  	p0 =	seq.s32 s10, $0x1;
	s10 =	sld [smem:$0x3FB2];
	_ =	sdelay $0x3  }
0x34: {  	[smem:$0x3FB2] =	sst s10  }
0x35: {  	s10 =	sld [smem:$0x3FB1];
	_ =	sdelay $0x3  }
0x36: {  	p1 =	seq.s32 s10, $0x1;
	s10 =	sld [smem:$0x3FB2];
	_ =	sdelay $0x3  }
0x37: {  	[smem:$0x3FB2] =	sst s10  }
0x38: {  	s10 =	sld [smem:$0x3FB3]  }
0x39: {  	_ = 	snop;
	(pc) =	sbr.ind lr, $3  }
0x3a: {  	_ = 	snop  }
0x3b: {  	_ = 	snop  }
0x3c: {  	p2 =	seq.s32 s10, $0x1;
	s10 =	sld [smem:$0x3FB2]  }
0x3d: {  	_ =	shalt  }
0x3e: {  	_ =	shalt  }
0x3f: {  	_ =	shalt  }
0x40: {  	_ =	shalt  }
0x41: {  	_ =	shalt  }
0x42: {  	_ =	shalt  }
0x43: {  	_ =	shalt  }
0x44: {  	_ =	shalt  }
0x45: {  	_ =	shalt  }
0x46: {  	_ =	shalt  }
0x47: {  	_ =	shalt  }
0x48: {  	_ =	shalt  }
0x49: {  	_ =	shalt  }
0x4a: {  	_ =	shalt  }
0x4b: {  	_ =	shalt  }
0x4c: {  	_ =	shalt  }
0x4d: {  	_ =	shalt  }
0x4e: {  	_ =	shalt  }
0x4f: {  	_ =	shalt  }
0x50: {  	_ =	shalt  }
0x51: {  	_ =	shalt  }
0x52: {  	_ =	shalt  }
0x53: {  	_ =	shalt  }
0x54: {  	_ =	shalt  }
0x55: {  	_ =	shalt  }
0x56: {  	_ =	shalt  }
0x57: {  	_ =	shalt  }
0x58: {  	_ =	shalt  }
0x59: {  	_ =	shalt  }
0x5a: {  	_ =	shalt  }
0x5b: {  	_ =	shalt  }
0x5c: {  	_ =	shalt  }
0x5d: {  	_ =	shalt  }
0x5e: {  	_ =	shalt  }
0x5f: {  	_ =	shalt  }
0x60: {  	_ =	shalt  }
0x61: {  	_ =	shalt  }
0x62: {  	_ =	shalt  }
0x63: {  	_ =	shalt  }
0x64: {  	_ =	shalt  }
0x65: {  	_ =	shalt  }
0x66: {  	_ =	shalt  }
0x67: {  	_ =	shalt  }
0x68: {  	_ =	shalt  }
0x69: {  	_ =	shalt  }
0x6a: {  	_ =	shalt  }
0x6b: {  	_ =	shalt  }
0x6c: {  	_ =	shalt  }
0x6d: {  	_ =	shalt  }
0x6e: {  	_ =	shalt  }
0x6f: {  	_ =	shalt  }
0x70: {  	_ =	shalt  }
0x71: {  	_ =	shalt  }
0x72: {  	_ =	shalt  }
0x73: {  	_ =	shalt  }
0x74: {  	_ =	shalt  }
0x75: {  	_ =	shalt  }
0x76: {  	_ =	shalt  }
0x77: {  	_ =	shalt  }
0x78: {  	_ =	shalt  }
0x79: {  	_ =	shalt  }
0x7a: {  	_ =	shalt  }
0x7b: {  	_ =	shalt  }
0x7c: {  	_ =	shalt  }
0x7d: {  	_ =	shalt  }
0x7e: {  	_ =	shalt  }
0x7f: {  	_ =	shalt  }
0x80: {  	_ =	shalt  }
0x81: {  	_ =	shalt  }
0x82: {  	_ =	shalt  }
0x83: {  	_ =	shalt  }
0x84: {  	_ =	shalt  }
0x85: {  	_ =	shalt  }
0x86: {  	_ =	shalt  }
0x87: {  	_ =	shalt  }
.Lfunc_end0:
.L_simem_size_0:
called_computation_lowered:
.L_overlay_start_0:
0x88: {  	s2 =	sld [smem:$0x3FD9]  }
0x89: {  	s3 =	sld [smem:$0x3FFE];
	_ =	sdelay $0x1  }
0x8a: {  	s1 =	srdreg.scid  }
0x8b: {  	s0 =	sand.u32 $0x1, s1  }
0x8c: {  	s17 =	sshll.u32 s0, $0xA;
	s2 =	sadd.s32 s3, s2  }
0x8d: {  	s2 =	sadd.s32 s2, s17  }
0x8e: {  	[smem:$0x3FBE] =	sst s2  }
0x8f: {  	_ = 	snop  }
0x90: {  	s2 =	sld [smem:$0x3FD0];
	(tm) =	ssettm $0x1  }
0x91: {  	s18 =	sld [smem:$0x3FFB];
	_ =	sdelay $0x3  }
0x92: {  	_ =	strace s18  }
0x93: {  	s3 =	sld [smem:$0x3FFC];
	_ =	sdelay $0x3  }
0x94: {  	_ =	strace s3  }
0x95: {  	s3 =	sld [smem:$0x3FFD];
	_ =	sdelay $0x3  }
0x96: {  	_ =	strace s3  }
0x97: {  	_ =	strace $0x8FFFFFFF  }
0x98: {  	s19 =	sld [smem:$0x3FDB];
	_ =	sdelay $0x1  }
0x99: {  	s4 =	simm.s32 $_scs_section_size  }
0x9a: {  	s5 =	simm.s32 $_size__tile_overlayer_lowered;
	s6 =	simm.s32 $_tile_overlayer_lowered  }
0x9b: {  	s22 =	simm.s32 $0x1BFF;
	s21 =	sshll.u32 s6, $0x1;
	s3 =	sadd.s32 s4, s19  }
0x9c: {  	s7 =	simm.s32 $0x0;
	s20 =	sshll.u32 s5, $0x1;
	s5 =	sadd.s32 s21, s3  }
0x9d: {  	[timem:s7], [sflag:s22] =	dma.local [hbm:s5], s20  }
0x9e: {  	_ =	swait.ge [sflag:s22], s20  }
0x9f: {  	s4 =	ssub.s32 $0x0, s20;
	[sflag:s22] =	ssyncset.done $0x0  }
0xa0: {  	[sflag:s22] =	ssyncadd.s32 s4;
	_ =	sdelay $0x1  }
0xa1: {  	s23 =	simm.s32 $0x1B8B  }
0xa2: {  	_ =	swait.ge [sflag:s23], $0x1  }
0xa3: {  	[sflag:s23] =	ssyncset.done $0x0  }
0xa4: {  	s25 =	simm.s32 $0x1B8E;
	s24 =	sld [smem:$0x3FFE];
	[sflag:s23] =	ssyncadd.s32 $0xFFFFFFFF  }
0xa5: {  	s26 =	simm.s32 $execute0_lowered;
	[smem:$0x3FD2] =	sst s25  }
0xa6: {  	s5 =	sshll.u32 s26, $0x1;
	_ =	strace $0x80000046;
	[dreg:$0x1] =	wrdreg $0xFFFFFFFF  }
0xa7: {  	s28 =	simm.s32 $_size_execute0_lowered;
	s3 =	sadd.s32 s3, s5;
	[dreg:$0x0] =	wrdreg $0x0  }
0xa8: {  	s5 =	sshll.u32 s28, $0x1;
	[dreg:$0x2] =	wrdreg s3  }
0xa9: {  	[dreg:$0x3] =	wrdreg s5  }
0xaa: {  	[dreg:$0x4] =	wrdreg $0xC0  }
0xab: {  	_ =	task [dreg:s7], $0x5FFFF  }
0xac: {  	[dreg:$0x1] =	wrdreg $0xFFFFFFFF  }
0xad: {  	[dreg:$0x0] =	wrdreg $0x60  }
0xae: {  	[dreg:$0x2] =	wrdreg s24  }
0xaf: {  	[dreg:$0x3] =	wrdreg s2  }
0xb0: {  	[dreg:$0x4] =	wrdreg $0x9  }
0xb1: {  	_ =	task.clear_ibuf [dreg:s7], $0x5FFFF;
	_ =	strace $0x90000046  }
0xb2: {  	s29 =	simm.s32 $0x9;
	_ =	strace $0x80000048  }
0xb3: {  	_ =	swait.ge [sflag:s29], $0x1  }
0xb4: {  	[sflag:s29] =	ssyncadd.s32 $0xFFFFFFFF  }
0xb5: {  	_ =	strace $0x90000048  }
0xb6: {  	_ =	sfence  }
0xb7: {  	s30 =	sld [smem:$0x0];
	_ =	sdelay $0x2  }
0xb8: {  	s31 =	sshll.u32 s1, $0xD;
	s1 =	sshrl.u32 s1, $0x2  }
0xb9: {  	s3 =	sand.u32 $0x4000, s31;
	s1 =	sadd.s32 s1, s30  }
0xba: {  	s0 =	sor.u32 s3, s0;
	s1 =	sshll.u32 s1, $0x11  }
0xbb: {  	s0 =	sor.u32 s1, s0  }
0xbc: {  	s0 =	sadd.s32 $0x8F2B, s0  }
0xbd: {  	[sflag:s0] =	ssyncadd.remote.s32 $0x1  }
0xbe: {  	_ =	sfence.sel $0xFFFF  }
0xbf: {  	[dreg:$0x0] =	wrdreg $0xFFFFFFFF;
	(pc) =	sbr.abs _section_cstart, $3  }
0xc0: {  	[dreg:$0x1] =	wrdreg $0xFFFFFFFF  }
0xc1: {  	_ =	task.clear_ibuf [dreg:s7], $0x2FFFF;
	_ =	strace $0x9FFFFFFF  }
0xc2: {  	(tm) =	ssettm $0x7FFFFFFF  }
0xc3: {  	_ =	shalt  }
tec
execute0_lowered:
.L_overlay_start_1:
0x0: {  	(tag) =	ssettag $0x1  }
0x1: {  	s24 =	rddreg [dreg:$0x0]  }
0x2: {  	s1 =	srdreg.scid;
	s0 =	stileid.u32  }
0x3: {  	s3 =	rddreg [dreg:$0x1];
	s25 =	sand.u32 $0x1, s1;
	s4 =	sshll.u32 s0, $0x1  }
0x4: {  	s2 =	simm.s32 $0x0;
	s1 =	rddreg [dreg:$0x2];
	s26 =	sor.u32 s25, s4  }
0x5: {  	[smem:$0x7FF] =	sst s2;
	s5 =	sshll.u32 s26, $0x6  }
0x6: {  	_ =	strace $0x80000047;
	s4 =	sadd.s32 s3, s5;
	s3 =	simm.s32 $0x2  }
0x7: {  	[tilespmem:s2], [sflag:$0x2] =	stream.linear.gather [hbm4b:s4+s2], $0x200, $0x38;
	[tilespmem:$0x4400] =	vst v63  }
0x8: {  	_ =	swait.ge [sflag:s3], $0x200  }
0x9: {  	s5 =	sadd.s32 s5, s24;
	[sflag:s3] =	ssyncset.done $0x0  }
0xa: {  	s6 =	simm.s32 $0x200;
	s5 =	sadd.s32 $0x1F1A00, s5;
	[sflag:s3] =	ssyncadd.s32 $0xFFFFFE00  }
0xb: {  	[tilespmem:s6], [sflag:$0x2] =	stream.linear.gather [hbm4b:s5+s2], $0x200, $0x38;
	[tilespmem:$0x4400] =	vst v63  }
0xc: {  	_ =	swait.ge [sflag:s3], $0x200  }
0xd: {  	s8 =	simm.s32 $0x80;
	[sflag:s3] =	ssyncset.done $0x0  }
0xe: {  	s9 =	simm.s32 $0x400;
	s7 =	sadd.s32 $0x1A00, s24;
	[sflag:s3] =	ssyncadd.s32 $0xFFFFFE00  }
0xf: {  	[tilespmem:s9], [sflag:$0x1] =	stream.indirect.gather [hbm4b:s7+s8], $0x10, s2, s8, $0xb8;
	[tilespmem:$0x4400] =	vst v63  }
0x10: {  	s11 =	simm.s32 $0x2400;
	s10 =	sadd.s32 $0x7C1A00, s24  }
0x11: {  	[tilespmem:s11], [sflag:$0x1] =	stream.indirect.gather [hbm4b:s10+s8], $0x10, s6, s8, $0xb8;
	[tilespmem:$0x4400] =	vst v63  }
0x12: {  	s12 =	simm.s32 $0xC00  }
0x13: {  	[tilespmem:s12], [sflag:$0x1] =	stream.indirect.gather [hbm4b:s7+s8], $0x10, s8, s8, $0xb8;
	[tilespmem:$0x4400] =	vst v63  }
0x14: {  	s13 =	simm.s32 $0x280;
	s14 =	simm.s32 $0x2C00  }
0x15: {  	[tilespmem:s14], [sflag:$0x1] =	stream.indirect.gather [hbm4b:s10+s8], $0x10, s13, s8, $0xb8;
	[tilespmem:$0x4400] =	vst v63  }
0x16: {  	s15 =	simm.s32 $0x100;
	s16 =	simm.s32 $0x1400  }
0x17: {  	[tilespmem:s16], [sflag:$0x1] =	stream.indirect.gather [hbm4b:s7+s8], $0x10, s15, s8, $0xb8;
	[tilespmem:$0x4400] =	vst v63  }
0x18: {  	s17 =	simm.s32 $0x300;
	s18 =	simm.s32 $0x3400  }
0x19: {  	[tilespmem:s18], [sflag:$0x1] =	stream.indirect.gather [hbm4b:s10+s8], $0x10, s17, s8, $0xb8;
	[tilespmem:$0x4400] =	vst v63  }
0x1a: {  	s19 =	simm.s32 $0x180;
	s20 =	simm.s32 $0x1C00  }
0x1b: {  	[tilespmem:s20], [sflag:$0x1] =	stream.indirect.gather [hbm4b:s7+s8], $0x10, s19, s8, $0xb8;
	[tilespmem:$0x4400] =	vst v63  }
0x1c: {  	s21 =	simm.s32 $0x380;
	s22 =	simm.s32 $0x3C00;
	s23 =	simm.s32 $0x1  }
0x1d: {  	[tilespmem:s22], [sflag:$0x1] =	stream.indirect.gather [hbm4b:s10+s8], $0x10, s21, s8, $0xb8;
	[tilespmem:$0x4400] =	vst v63  }
0x1e: {  	_ =	swait.ge [sflag:s23], $0x800  }
0x1f: {  	[sflag:s23] =	ssyncset.done $0x0  }
0x20: {  	[sflag:s23] =	ssyncadd.s32 $0xFFFFF800  }
0x21: {  	_ =	swait.ge [sflag:s23], $0x800  }
0x22: {  	[sflag:s23] =	ssyncset.done $0x0  }
0x23: {  	[sflag:s23] =	ssyncadd.s32 $0xFFFFF800  }
0x24: {  	_ =	swait.ge [sflag:s23], $0x800  }
0x25: {  	[sflag:s23] =	ssyncset.done $0x0  }
0x26: {  	[sflag:s23] =	ssyncadd.s32 $0xFFFFF800  }
0x27: {  	_ =	swait.ge [sflag:s23], $0x800  }
0x28: {  	[sflag:s23] =	ssyncset.done $0x0  }
0x29: {  	[sflag:s23] =	ssyncadd.s32 $0xFFFFF800  }
0x2a: {  	_ =	swait.ge [sflag:s23], $0x800  }
0x2b: {  	[sflag:s23] =	ssyncset.done $0x0  }
0x2c: {  	[sflag:s23] =	ssyncadd.s32 $0xFFFFF800  }
0x2d: {  	_ =	swait.ge [sflag:s23], $0x800  }
0x2e: {  	[sflag:s23] =	ssyncset.done $0x0  }
0x2f: {  	[sflag:s23] =	ssyncadd.s32 $0xFFFFF800  }
0x30: {  	_ =	swait.ge [sflag:s23], $0x800  }
0x31: {  	[sflag:s23] =	ssyncset.done $0x0  }
0x32: {  	s25 =	ssub.s32 $0x2, s25;
	[sflag:s23] =	ssyncadd.s32 $0xFFFFF800  }
0x33: {  	s26 =	sshll.u32 s26, $0xA;
	s28 =	sshrl.u32 s25, $0x1;
	_ =	swait.ge [sflag:s23], $0x800  }
0x34: {  	s26 =	sadd.s32 s26, s24;
	s28 =	ssub.s32 s25, s28;
	[sflag:s23] =	ssyncset.done $0x0  }
0x35: {  	s24 =	sadd.s32 $0x1FA200, s26;
	s31 =	smax.u32 s28, $0x1;
	[sflag:s23] =	ssyncadd.s32 $0xFFFFF800  }
0x36: {  	[hbm4b:s24+s2] =	stream.linear.scatter [tilespmem:s9], [sflag:$0x2], $0x2000, $0x38;
	[tilespmem:$0x4400] =	vst v63  }
0x37: {  	p0 =	sne.s32 s31, $0x1;
	_ =	swait.ge [sflag:s3], $0x2000  }
.Ltmp0:
0x38: {  	[sflag:s3] =	ssyncset.done $0x0;
	(pc) =	sbr.rel @!p0 .LBB2_2-.Ltmp0, $4  }
0x39: {  	s25 =	sadd.s32 $0x1F2200, s26;
	[sflag:s3] =	ssyncadd.s32 $0xFFFFE000  }
0x3a: {  	[hbm4b:s25+s2] =	stream.linear.scatter [tilespmem:s11], [sflag:$0x2], $0x2000, $0x38;
	[tilespmem:$0x4400] =	vst v63  }
0x3b: {  	_ =	swait.ge [sflag:s3], $0x2000  }
0x3c: {  	s26 =	sadd.s32 $0xFFFFFFFF, s31;
	[sflag:s3] =	ssyncset.done $0x0  }
.LBB2_1:
0x3d: {  	p0 =	sne.s32 s26, $0x1;
	s26 =	sadd.s32 $0xFFFFFFFF, s26;
	[sflag:s3] =	ssyncadd.s32 $0xFFFFE000  }
0x3e: {  	[tilespmem:s2], [sflag:$0x2] =	stream.linear.gather [hbm4b:s4+s2], $0x200, $0x38;
	[tilespmem:$0x4400] =	vst v63  }
0x3f: {  	_ =	swait.ge [sflag:s3], $0x200  }
0x40: {  	[sflag:s3] =	ssyncset.done $0x0  }
0x41: {  	[sflag:s3] =	ssyncadd.s32 $0xFFFFFE00  }
0x42: {  	[tilespmem:s6], [sflag:$0x2] =	stream.linear.gather [hbm4b:s5+s2], $0x200, $0x38;
	[tilespmem:$0x4400] =	vst v63  }
0x43: {  	_ =	swait.ge [sflag:s3], $0x200  }
0x44: {  	[sflag:s3] =	ssyncset.done $0x0  }
0x45: {  	[sflag:s3] =	ssyncadd.s32 $0xFFFFFE00  }
0x46: {  	[tilespmem:s9], [sflag:$0x1] =	stream.indirect.gather [hbm4b:s7+s8], $0x10, s2, s8, $0xb8;
	[tilespmem:$0x4400] =	vst v63  }
0x47: {  	_ = 	snop  }
0x48: {  	[tilespmem:s11], [sflag:$0x1] =	stream.indirect.gather [hbm4b:s10+s8], $0x10, s6, s8, $0xb8;
	[tilespmem:$0x4400] =	vst v63  }
0x49: {  	_ = 	snop  }
0x4a: {  	[tilespmem:s12], [sflag:$0x1] =	stream.indirect.gather [hbm4b:s7+s8], $0x10, s8, s8, $0xb8;
	[tilespmem:$0x4400] =	vst v63  }
0x4b: {  	_ = 	snop  }
0x4c: {  	[tilespmem:s14], [sflag:$0x1] =	stream.indirect.gather [hbm4b:s10+s8], $0x10, s13, s8, $0xb8;
	[tilespmem:$0x4400] =	vst v63  }
0x4d: {  	_ = 	snop  }
0x4e: {  	[tilespmem:s16], [sflag:$0x1] =	stream.indirect.gather [hbm4b:s7+s8], $0x10, s15, s8, $0xb8;
	[tilespmem:$0x4400] =	vst v63  }
0x4f: {  	_ = 	snop  }
0x50: {  	[tilespmem:s18], [sflag:$0x1] =	stream.indirect.gather [hbm4b:s10+s8], $0x10, s17, s8, $0xb8;
	[tilespmem:$0x4400] =	vst v63  }
0x51: {  	_ = 	snop  }
0x52: {  	[tilespmem:s20], [sflag:$0x1] =	stream.indirect.gather [hbm4b:s7+s8], $0x10, s19, s8, $0xb8;
	[tilespmem:$0x4400] =	vst v63  }
0x53: {  	_ = 	snop  }
0x54: {  	[tilespmem:s22], [sflag:$0x1] =	stream.indirect.gather [hbm4b:s10+s8], $0x10, s21, s8, $0xb8;
	[tilespmem:$0x4400] =	vst v63  }
0x55: {  	_ =	swait.ge [sflag:s23], $0x800  }
0x56: {  	[sflag:s23] =	ssyncset.done $0x0  }
0x57: {  	[sflag:s23] =	ssyncadd.s32 $0xFFFFF800  }
0x58: {  	_ =	swait.ge [sflag:s23], $0x800  }
0x59: {  	[sflag:s23] =	ssyncset.done $0x0  }
0x5a: {  	[sflag:s23] =	ssyncadd.s32 $0xFFFFF800  }
0x5b: {  	_ =	swait.ge [sflag:s23], $0x800  }
0x5c: {  	[sflag:s23] =	ssyncset.done $0x0  }
0x5d: {  	[sflag:s23] =	ssyncadd.s32 $0xFFFFF800  }
0x5e: {  	_ =	swait.ge [sflag:s23], $0x800  }
0x5f: {  	[sflag:s23] =	ssyncset.done $0x0  }
0x60: {  	[sflag:s23] =	ssyncadd.s32 $0xFFFFF800  }
0x61: {  	_ =	swait.ge [sflag:s23], $0x800  }
0x62: {  	[sflag:s23] =	ssyncset.done $0x0  }
0x63: {  	[sflag:s23] =	ssyncadd.s32 $0xFFFFF800  }
0x64: {  	_ =	swait.ge [sflag:s23], $0x800  }
0x65: {  	[sflag:s23] =	ssyncset.done $0x0  }
0x66: {  	[sflag:s23] =	ssyncadd.s32 $0xFFFFF800  }
0x67: {  	_ =	swait.ge [sflag:s23], $0x800  }
0x68: {  	[sflag:s23] =	ssyncset.done $0x0  }
0x69: {  	[sflag:s23] =	ssyncadd.s32 $0xFFFFF800  }
0x6a: {  	_ =	swait.ge [sflag:s23], $0x800  }
0x6b: {  	[sflag:s23] =	ssyncset.done $0x0  }
0x6c: {  	[sflag:s23] =	ssyncadd.s32 $0xFFFFF800  }
0x6d: {  	[hbm4b:s24+s2] =	stream.linear.scatter [tilespmem:s9], [sflag:$0x2], $0x2000, $0x38;
	[tilespmem:$0x4400] =	vst v63  }
0x6e: {  	_ =	swait.ge [sflag:s3], $0x2000  }
.Ltmp1:
0x6f: {  	[sflag:s3] =	ssyncset.done $0x0;
	(pc) =	sbr.rel @p0 .LBB2_1-.Ltmp1, $4  }
0x70: {  	[sflag:s3] =	ssyncadd.s32 $0xFFFFE000  }
0x71: {  	[hbm4b:s25+s2] =	stream.linear.scatter [tilespmem:s11], [sflag:$0x2], $0x2000, $0x38;
	[tilespmem:$0x4400] =	vst v63  }
0x72: {  	_ =	swait.ge [sflag:s3], $0x2000  }
0x73: {  	[sflag:s3] =	ssyncset.done $0x0  }
.LBB2_2:
0x74: {  	[sflag:s3] =	ssyncadd.s32 $0xFFFFE000  }
0x75: {  	_ =	sfence.sel $0x180000  }
0x76: {  	[bflag:$0x0] =	sbarrier.arrive $0xFFFF  }
0x77: {  	p0 =	sne.s32 s0, $0x0;
	_ =	strace $0x90000047  }
0x78: {  	s0 =	sadd.s32 @!p0 $0x100000, s1;
	[bflag:$0x2] =	sbarrier.arrive $0xFFFF  }
0x79: {  	[sflag:s0] =	ssyncadd.tile.s32 @!p0 $0x1;
	_ =	shalt  }
.Lfunc_end2:
_tile_overlayer_lowered:
.L_overlay_start_2:
0x7a: {  	(tag) =	ssettag $0x2  }
0x7b: {  	s0 =	rddreg [dreg:$0x0];
	s2 =	stileid.u32  }
0x7c: {  	s1 =	rddreg [dreg:$0x1];
	p0 =	sne.s32 s2, $0x0  }
0x7d: {  	s3 =	rddreg [dreg:$0x2];
	[bflag:$0x3] =	sbarrier.arrive $0xFFFF;
	s2 =	simm.s32 @!p0 $0x1C02  }
0x7e: {  	[timem:s3], [sflag:s2] =	dma.local @!p0 [hbm:s0], s1  }
0x7f: {  	s0 =	simm.s32 @!p0 $0x2  }
0x80: {  	_ =	swait.ge @!p0 [sflag:s0], s1  }
0x81: {  	s1 =	ssub.s32 @!p0 $0x0, s1;
	[sflag:s0] =	ssyncset.done @!p0 $0x0  }
0x82: {  	[sflag:s0] =	ssyncadd.s32 @!p0 s1  }
0x83: {  	[bflag:$0x3] =	sbarrier.arrive $0xFFFF  }
0x84: {  	_ =	shalt  }

</sc_bundles>
